<compile_context>
chip_gen: v7x
topology: tpu7x:2x2x1
jax: 0.10.2.dev20260603
libtpu: 0.0.44.dev20260713+nightly
codegen_flags: <defaults>
</compile_context>

<pallas_src>
import functools

import jax
import jax.numpy as jnp
from jax import lax
from jax.experimental import pallas as pl
from jax.experimental.pallas import tpu as pltpu
from jax.experimental.pallas import tpu_sc as plsc

N = 10000
NP = 10240
D = 128
E = 320000
NC = 2
NS = 16
NW = NC * NS
EPW = E // NW
CHUNK = 80
NCH = EPW // CHUNK
DEGW = 128
DEGC = 8
RPT = NP // NS

_mesh = plsc.VectorSubcoreMesh(
    core_axis_name="c", subcore_axis_name="s", num_cores=NC, num_subcores=NS
)


def _make_deg(w):
    @functools.partial(
        pl.kernel,
        out_type=jax.ShapeDtypeStruct((NC, NP, w), jnp.float32),
        mesh=_mesh,
        scratch_types=[
            pltpu.VMEM((NCH, CHUNK), jnp.int32),
            pltpu.VMEM((CHUNK, w), jnp.float32),
            pltpu.VMEM_SHARED((NP, w), jnp.float32),
            pltpu.SemaphoreType.DMA((2,)),
        ],
    )
    def degk(dst_hbm, ones_hbm, zeros_hbm, out_hbm, dst_v, ones_v, acc, scsem):
        c = lax.axis_index("c")
        s = lax.axis_index("s")
        wid = c * NS + s
        pltpu.sync_copy(ones_hbm, ones_v)
        pltpu.sync_copy(dst_hbm.at[wid], dst_v)
        pltpu.sync_copy(zeros_hbm, acc.at[pl.ds(s * RPT, RPT)])
        plsc.subcore_barrier()

        def body(j, carry):
            p = j & 1

            @pl.when(j >= 2)
            def _drain():
                pltpu.make_async_copy(ones_v, acc.at[dst_v.at[j - 2]],
                                      scsem.at[p]).wait()

            pltpu.make_async_copy(ones_v, acc.at[dst_v.at[j]],
                                  scsem.at[p]).start(add=True)
            return carry

        lax.fori_loop(0, NCH, body, 0)
        pltpu.make_async_copy(ones_v, acc.at[dst_v.at[0]], scsem.at[0]).wait()
        pltpu.make_async_copy(ones_v, acc.at[dst_v.at[0]], scsem.at[1]).wait()
        plsc.subcore_barrier()
        pltpu.sync_copy(acc.at[pl.ds(s * RPT, RPT)],
                        out_hbm.at[c, pl.ds(s * RPT, RPT)])

    return degk


_deg_kernel = _make_deg(DEGW)


@functools.partial(
    pl.kernel,
    out_type=jax.ShapeDtypeStruct((NC, NP, D), jnp.float32),
    mesh=_mesh,
    scratch_types=[
        pltpu.VMEM((EPW,), jnp.int32),
        pltpu.VMEM((NCH, CHUNK), jnp.int32),
        pltpu.VMEM((2, CHUNK, D), jnp.float32),
        pltpu.VMEM_SHARED((NP, D), jnp.float32),
        pltpu.SemaphoreType.DMA((2,)),
        pltpu.SemaphoreType.DMA((2,)),
    ],
)
def _spmm_kernel(g_hbm, src_hbm, dst_hbm, zeros_hbm, out_hbm,
                 src_v, dst_v, rows2, acc, sem2, scsem):
    c = lax.axis_index("c")
    s = lax.axis_index("s")
    wid = c * NS + s
    pltpu.sync_copy(src_hbm.at[wid], src_v)
    pltpu.sync_copy(dst_hbm.at[wid], dst_v)
    pltpu.sync_copy(zeros_hbm, acc.at[pl.ds(s * RPT, RPT)])
    plsc.subcore_barrier()

    pltpu.async_copy(g_hbm.at[src_v.at[pl.ds(0, CHUNK)]], rows2.at[0], sem2.at[0])

    def body(j, carry):
        p = j & 1
        q = 1 - p

        @pl.when(j + 1 < NCH)
        def _start_next():
            @pl.when(j >= 1)
            def _drain_prev_scatter():
                pltpu.make_async_copy(rows2.at[q], acc.at[dst_v.at[j - 1]],
                                      scsem.at[q]).wait()

            nxt = src_v.at[pl.ds(pl.multiple_of((j + 1) * CHUNK, CHUNK), CHUNK)]
            pltpu.async_copy(g_hbm.at[nxt], rows2.at[q], sem2.at[q])

        cur = src_v.at[pl.ds(pl.multiple_of(j * CHUNK, CHUNK), CHUNK)]
        pltpu.make_async_copy(g_hbm.at[cur], rows2.at[p], sem2.at[p]).wait()
        pltpu.make_async_copy(rows2.at[p], acc.at[dst_v.at[j]],
                              scsem.at[p]).start(add=True)
        return carry

    lax.fori_loop(0, NCH, body, 0)
    pltpu.make_async_copy(rows2.at[0], acc.at[dst_v.at[NCH - 1]], scsem.at[0]).wait()
    pltpu.make_async_copy(rows2.at[1], acc.at[dst_v.at[NCH - 2]], scsem.at[1]).wait()
    plsc.subcore_barrier()
    pltpu.sync_copy(acc.at[pl.ds(s * RPT, RPT)], out_hbm.at[c, pl.ds(s * RPT, RPT)])


RB = 1024


def _projscale_body(x_ref, w_ref, b_ref, d_ref, g_ref, n_ref):
    h = lax.dot_general(
        x_ref[...], w_ref[...], (((1,), (1,)), ((), ())),
        preferred_element_type=jnp.float32,
    ) + b_ref[...]
    nrm = lax.rsqrt(1.0 + d_ref[0, :, 0:1] + d_ref[1, :, 0:1])
    n_ref[...] = jnp.broadcast_to(nrm, (RB, DEGC))
    g_ref[...] = h * nrm


_projscale = pl.pallas_call(
    _projscale_body,
    grid=(NP // RB,),
    in_specs=[
        pl.BlockSpec((RB, D), lambda i: (i, 0)),
        pl.BlockSpec((D, D), lambda i: (0, 0)),
        pl.BlockSpec((1, D), lambda i: (0, 0)),
        pl.BlockSpec((NC, RB, DEGW), lambda i: (0, i, 0)),
    ],
    out_specs=[
        pl.BlockSpec((RB, D), lambda i: (i, 0)),
        pl.BlockSpec((RB, DEGC), lambda i: (i, 0)),
    ],
    out_shape=[
        jax.ShapeDtypeStruct((NP, D), jnp.float32),
        jax.ShapeDtypeStruct((NP, DEGC), jnp.float32),
    ],
)


def _merge_body(p_ref, g_ref, n_ref, o_ref, *, npow):
    nrm = n_ref[:, 0:1]
    scale = nrm * nrm if npow == 2 else nrm
    o_ref[...] = (p_ref[0] + p_ref[1] + g_ref[...]) * scale


def _make_merge(npow):
    return pl.pallas_call(
        functools.partial(_merge_body, npow=npow),
        grid=(NP // RB,),
        in_specs=[
            pl.BlockSpec((NC, RB, D), lambda i: (0, i, 0)),
            pl.BlockSpec((RB, D), lambda i: (i, 0)),
            pl.BlockSpec((RB, DEGC), lambda i: (i, 0)),
        ],
        out_specs=pl.BlockSpec((RB, D), lambda i: (i, 0)),
        out_shape=jax.ShapeDtypeStruct((NP, D), jnp.float32),
    )


_merge2 = _make_merge(2)
_merge1 = _make_merge(1)


def kernel(x, edge_index, W, b):
    src = edge_index[0].astype(jnp.int32).reshape(NW, EPW)
    dst = edge_index[1].astype(jnp.int32).reshape(NW, NCH, CHUNK)
    xp = jnp.pad(x, ((0, NP - N), (0, 0)))
    ones_w = jnp.ones((CHUNK, DEGW), jnp.float32)
    zeros_w = jnp.zeros((RPT, DEGW), jnp.float32)
    zeros128 = jnp.zeros((RPT, D), jnp.float32)

    degp = _deg_kernel(dst, ones_w, zeros_w)
    g1, nrm = _projscale(xp, W, b.reshape(1, D), degp)
    p1 = _spmm_kernel(g1, src, dst, zeros128)
    g2 = _merge2(p1, g1, nrm)
    p2 = _spmm_kernel(g2, src, dst, zeros128)
    h2 = _merge1(p2, g2, nrm)
    return h2[:N]

# --- scband reference (transcript-rebuilt; emitter-appended) ---
"""Pipeline reference for scband-pure-gcn-v1-77841987272990 (READ-ONLY COPY).

The authoritative reference and input builder live on the scoring server;
editing this copy changes nothing except your own understanding.
"""

import jax, jax.numpy as jnp
import numpy as np

N_NODES = 10000
N_EDGES = 320000
D_IN = 128
HIDDEN = 128
NUM_LAYERS = 2


def setup_inputs(seed: int = 0) -> dict:
    key = jax.random.key(seed)
    k1, k2, k3, k4 = jax.random.split(key, 4)
    x = jax.random.normal(k1, (N_NODES, D_IN), dtype=jnp.float32)
    edge_index = jax.random.randint(k2, (2, N_EDGES), 0, N_NODES, dtype=jnp.int64)
    # Linear projection params (nn.Linear(input_dim, hidden))
    bound = 1.0 / np.sqrt(D_IN)
    W = jax.random.uniform(k3, (HIDDEN, D_IN), minval=-bound, maxval=bound, dtype=jnp.float32)
    b = jax.random.uniform(k4, (HIDDEN,), minval=-bound, maxval=bound, dtype=jnp.float32)
    return {"x": x, "edge_index": edge_index, "W": W, "b": b}


def reference(x, edge_index, W, b):
    src = edge_index[0]
    dst = edge_index[1]
    n = x.shape[0]
    # projection: h = x @ W^T + b
    h = x @ W.T + b
    # row-degree of adj_t: number of edges aggregating into each dst node
    deg = jax.ops.segment_sum(jnp.ones((edge_index.shape[1],), dtype=jnp.float32), dst, num_segments=n)
    norm = jax.lax.rsqrt(1.0 + deg).reshape(-1, 1)
    for _ in range(NUM_LAYERS):
        h = norm * h
        # spmm_add(adj_t, h): gather from src, scatter-add to dst
        agg = jax.ops.segment_sum(h[src], dst, num_segments=n)
        h = agg + h
        h = norm * h
    return h

if __name__ == "__main__":
    import jax
    _d = setup_inputs()
    print(jax.jit(kernel)(*tuple(_d.values())))

</pallas_src>

<mosaic_0001>
#map = affine_map<(d0, d1) -> (0, 0)>
#map1 = affine_map<(d0, d1) -> (0, 0, 0)>
module attributes {stable_mosaic.version = 14 : i64} {
  func.func @_spmm_kernel(%arg0: i32, %arg1: i32, %arg2: memref<10240x128xf32, #tpu.memory_space<hbm>>, %arg3: memref<32x10000xi32, #tpu.memory_space<hbm>>, %arg4: memref<32x125x80xi32, #tpu.memory_space<hbm>>, %arg5: memref<640x128xf32, #tpu.memory_space<hbm>>, %arg6: memref<2x10240x128xf32, #tpu.memory_space<hbm>>, %arg7: memref<10000xi32, #tpu.memory_space<vmem>>, %arg8: memref<125x80xi32, #tpu.memory_space<vmem>>, %arg9: memref<2x80x128xf32, #tpu.memory_space<vmem>>, %arg10: memref<10240x128xf32, #tpu.memory_space<vmem_shared>>, %arg11: memref<2x!tpu.dma_semaphore, #tpu.memory_space<semaphore_mem>>, %arg12: memref<2x!tpu.dma_semaphore, #tpu.memory_space<semaphore_mem>>) attributes {dimension_semantics = [#tpu.dimension_semantics<core_parallel>, #tpu.dimension_semantics<subcore_parallel>], iteration_bounds = array<i64: 2, 16>, scalar_prefetch = 0 : i64, scratch_operands = 6 : i64, tpu.core_type = #tpu.core_type<sc_vector_subcore>, window_params = [{transform_indices = #map}, {transform_indices = #map}, {transform_indices = #map1}, {transform_indices = #map}, {transform_indices = #map1}]} {
    %mul3A = arith.constant 16 : i32
    %mul3A_0 = arith.muli %arg0, %mul3A : i32
    %add3A = arith.addi %mul3A_0, %arg1 : i32
    "tpu.region"() ({
      %run_scoped3A = tpu.sem_alloc : memref<!tpu.dma_semaphore, #tpu.memory_space<semaphore_mem>>
      %dma_start3A_54 = arith.constant 0 : i32
      %dma_start3A_55 = tpu.memref_slice %arg3[%add3A, %dma_start3A_54] : memref<32x10000xi32, #tpu.memory_space<hbm>> -> memref<1x10000xi32, #tpu.memory_space<hbm>>
      %dma_start3A_56 = tpu.memref_squeeze %dma_start3A_55 : memref<1x10000xi32, #tpu.memory_space<hbm>> -> memref<10000xi32, #tpu.memory_space<hbm>>
      %dma_start3A_57 = arith.constant 0 : i32
      %dma_start3A_58 = tpu.memref_slice %arg3[%add3A, %dma_start3A_57] : memref<32x10000xi32, #tpu.memory_space<hbm>> -> memref<1x10000xi32, #tpu.memory_space<hbm>>
      %dma_start3A_59 = tpu.memref_squeeze %dma_start3A_58 : memref<1x10000xi32, #tpu.memory_space<hbm>> -> memref<10000xi32, #tpu.memory_space<hbm>>
      tpu.enqueue_dma source(%dma_start3A_59 : memref<10000xi32, #tpu.memory_space<hbm>>) target(%arg7 : memref<10000xi32, #tpu.memory_space<vmem>>) target_semaphore(%run_scoped3A : memref<!tpu.dma_semaphore, #tpu.memory_space<semaphore_mem>>)
      %dma_wait3A_60 = arith.constant 0 : i32
      %dma_wait3A_61 = tpu.memref_slice %arg3[%add3A, %dma_wait3A_60] : memref<32x10000xi32, #tpu.memory_space<hbm>> -> memref<1x10000xi32, #tpu.memory_space<hbm>>
      %dma_wait3A_62 = tpu.memref_squeeze %dma_wait3A_61 : memref<1x10000xi32, #tpu.memory_space<hbm>> -> memref<10000xi32, #tpu.memory_space<hbm>>
      %dma_wait3A_63 = arith.constant 0 : i32
      %dma_wait3A_64 = tpu.memref_slice %arg3[%add3A, %dma_wait3A_63] : memref<32x10000xi32, #tpu.memory_space<hbm>> -> memref<1x10000xi32, #tpu.memory_space<hbm>>
      %dma_wait3A_65 = tpu.memref_squeeze %dma_wait3A_64 : memref<1x10000xi32, #tpu.memory_space<hbm>> -> memref<10000xi32, #tpu.memory_space<hbm>>
      tpu.wait_dma2 semaphore(%run_scoped3A : memref<!tpu.dma_semaphore, #tpu.memory_space<semaphore_mem>>) src(%dma_wait3A_65 : memref<10000xi32, #tpu.memory_space<hbm>>) dst(%arg7 : memref<10000xi32, #tpu.memory_space<vmem>>)
      tpu.yield
    }) : () -> ()
    "tpu.region"() ({
      %run_scoped3A = tpu.sem_alloc : memref<!tpu.dma_semaphore, #tpu.memory_space<semaphore_mem>>
      %dma_start3A_54 = arith.constant 0 : i32
      %dma_start3A_55 = arith.constant 0 : i32
      %dma_start3A_56 = tpu.memref_slice %arg4[%add3A, %dma_start3A_54, %dma_start3A_55] : memref<32x125x80xi32, #tpu.memory_space<hbm>> -> memref<1x125x80xi32, #tpu.memory_space<hbm>>
      %dma_start3A_57 = tpu.memref_squeeze %dma_start3A_56 : memref<1x125x80xi32, #tpu.memory_space<hbm>> -> memref<125x80xi32, #tpu.memory_space<hbm>>
      %dma_start3A_58 = arith.constant 0 : i32
      %dma_start3A_59 = arith.constant 0 : i32
      %dma_start3A_60 = tpu.memref_slice %arg4[%add3A, %dma_start3A_58, %dma_start3A_59] : memref<32x125x80xi32, #tpu.memory_space<hbm>> -> memref<1x125x80xi32, #tpu.memory_space<hbm>>
      %dma_start3A_61 = tpu.memref_squeeze %dma_start3A_60 : memref<1x125x80xi32, #tpu.memory_space<hbm>> -> memref<125x80xi32, #tpu.memory_space<hbm>>
      tpu.enqueue_dma source(%dma_start3A_61 : memref<125x80xi32, #tpu.memory_space<hbm>>) target(%arg8 : memref<125x80xi32, #tpu.memory_space<vmem>>) target_semaphore(%run_scoped3A : memref<!tpu.dma_semaphore, #tpu.memory_space<semaphore_mem>>)
      %dma_wait3A_62 = arith.constant 0 : i32
      %dma_wait3A_63 = arith.constant 0 : i32
      %dma_wait3A_64 = tpu.memref_slice %arg4[%add3A, %dma_wait3A_62, %dma_wait3A_63] : memref<32x125x80xi32, #tpu.memory_space<hbm>> -> memref<1x125x80xi32, #tpu.memory_space<hbm>>
      %dma_wait3A_65 = tpu.memref_squeeze %dma_wait3A_64 : memref<1x125x80xi32, #tpu.memory_space<hbm>> -> memref<125x80xi32, #tpu.memory_space<hbm>>
      %dma_wait3A_66 = arith.constant 0 : i32
      %dma_wait3A_67 = arith.constant 0 : i32
      %dma_wait3A_68 = tpu.memref_slice %arg4[%add3A, %dma_wait3A_66, %dma_wait3A_67] : memref<32x125x80xi32, #tpu.memory_space<hbm>> -> memref<1x125x80xi32, #tpu.memory_space<hbm>>
      %dma_wait3A_69 = tpu.memref_squeeze %dma_wait3A_68 : memref<1x125x80xi32, #tpu.memory_space<hbm>> -> memref<125x80xi32, #tpu.memory_space<hbm>>
      tpu.wait_dma2 semaphore(%run_scoped3A : memref<!tpu.dma_semaphore, #tpu.memory_space<semaphore_mem>>) src(%dma_wait3A_69 : memref<125x80xi32, #tpu.memory_space<hbm>>) dst(%arg8 : memref<125x80xi32, #tpu.memory_space<vmem>>)
      tpu.yield
    }) : () -> ()
    %mul3A_1 = arith.constant 640 : i32
    %mul3A_2 = arith.muli %arg1, %mul3A_1 : i32
    "tpu.region"() ({
      %run_scoped3A = tpu.sem_alloc : memref<!tpu.dma_semaphore, #tpu.memory_space<semaphore_mem>>
      %dma_start3A_54 = arith.constant 0 : i32
      %dma_start3A_55 = tpu.memref_slice %arg10[%mul3A_2, %dma_start3A_54] : memref<10240x128xf32, #tpu.memory_space<vmem_shared>> -> memref<640x128xf32, #tpu.memory_space<vmem_shared>>
      tpu.enqueue_dma source(%arg5 : memref<640x128xf32, #tpu.memory_space<hbm>>) target(%dma_start3A_55 : memref<640x128xf32, #tpu.memory_space<vmem_shared>>) target_semaphore(%run_scoped3A : memref<!tpu.dma_semaphore, #tpu.memory_space<semaphore_mem>>)
      %dma_wait3A_56 = arith.constant 0 : i32
      %dma_wait3A_57 = tpu.memref_slice %arg10[%mul3A_2, %dma_wait3A_56] : memref<10240x128xf32, #tpu.memory_space<vmem_shared>> -> memref<640x128xf32, #tpu.memory_space<vmem_shared>>
      tpu.wait_dma2 semaphore(%run_scoped3A : memref<!tpu.dma_semaphore, #tpu.memory_space<semaphore_mem>>) src(%arg5 : memref<640x128xf32, #tpu.memory_space<hbm>>) dst(%dma_wait3A_57 : memref<640x128xf32, #tpu.memory_space<vmem_shared>>)
      tpu.yield
    }) : () -> ()
    %barrier3A = arith.constant 0 : index
    tpu.barrier barrier_id(%barrier3A)
    %dma_start3A = arith.constant 0 : i32
    %dma_start3A_3 = arith.constant 0 : i32
    %dma_start3A_4 = arith.constant 0 : i32
    %dma_start3A_5 = arith.constant 0 : i32
    %dma_start3A_6 = tpu.memref_slice %arg9[%dma_start3A, %dma_start3A_4, %dma_start3A_5] : memref<2x80x128xf32, #tpu.memory_space<vmem>> -> memref<1x80x128xf32, #tpu.memory_space<vmem>>
    %dma_start3A_7 = tpu.memref_squeeze %dma_start3A_6 : memref<1x80x128xf32, #tpu.memory_space<vmem>> -> memref<80x128xf32, #tpu.memory_space<vmem>>
    %dma_start3A_8 = arith.constant 0 : i32
    %dma_start3A_9 = tpu.memref_slice %arg7[%dma_start3A_8] : memref<10000xi32, #tpu.memory_space<vmem>> -> memref<80xi32, #tpu.memory_space<vmem>>
    %dma_start3A_10 = arith.constant 0 : i32
    %dma_start3A_11 = arith.constant 0 : i32
    %dma_start3A_12 = tpu.memref_slice %arg2[%dma_start3A_10, %dma_start3A_11] : memref<10240x128xf32, #tpu.memory_space<hbm>> -> memref<10240x128xf32, #tpu.memory_space<hbm>>
    %dma_start3A_13 = tpu.memref_slice %arg11[%dma_start3A_3] : memref<2x!tpu.dma_semaphore, #tpu.memory_space<semaphore_mem>> -> memref<1x!tpu.dma_semaphore, #tpu.memory_space<semaphore_mem>>
    %dma_start3A_14 = tpu.memref_squeeze %dma_start3A_13 : memref<1x!tpu.dma_semaphore, #tpu.memory_space<semaphore_mem>> -> memref<!tpu.dma_semaphore, #tpu.memory_space<semaphore_mem>>
    tpu.enqueue_indirect_dma source(%dma_start3A_12 : memref<10240x128xf32, #tpu.memory_space<hbm>>) target(%dma_start3A_7 : memref<80x128xf32, #tpu.memory_space<vmem>>) offsets(%dma_start3A_9 : memref<80xi32, #tpu.memory_space<vmem>>) semaphore(%dma_start3A_14 : memref<!tpu.dma_semaphore, #tpu.memory_space<semaphore_mem>>)
    %scan3A = arith.constant 0 : i32
    %scan3A_15 = arith.constant 0 : i32
    %scan3A_16 = arith.constant 125 : i32
    %scan3A_17 = arith.addi %scan3A_15, %scan3A_16 : i32
    %scan3A_18 = arith.constant 1 : i32
    scf.for %scan3A_54 = %scan3A_15 to %scan3A_17 step %scan3A_18  : i32 {
      %and3A = arith.constant 1 : i32
      %and3A_55 = arith.andi %scan3A_54, %and3A : i32
      %sub3A = arith.constant 1 : i32
      %sub3A_56 = arith.subi %sub3A, %and3A_55 : i32
      %add3A_57 = arith.constant 1 : i32
      %add3A_58 = arith.addi %scan3A_54, %add3A_57 : i32
      %lt3A = arith.constant 125 : i32
      %lt3A_59 = arith.cmpi slt, %add3A_58, %lt3A : i32
      %convert_element_type3A = arith.extui %lt3A_59 : i1 to i32
      %cond3A = arith.constant 0 : i32
      %cond3A_60 = arith.cmpi ne, %convert_element_type3A, %cond3A : i32
      scf.if %cond3A_60 {
        %ge3A = arith.constant 1 : i32
        %ge3A_85 = arith.cmpi sge, %scan3A_54, %ge3A : i32
        %convert_element_type3A_86 = arith.extui %ge3A_85 : i1 to i32
        %cond3A_87 = arith.constant 0 : i32
        %cond3A_88 = arith.cmpi ne, %convert_element_type3A_86, %cond3A_87 : i32
        scf.if %cond3A_88 {
          %sub3A_104 = arith.constant 1 : i32
          %sub3A_105 = arith.subi %scan3A_54, %sub3A_104 : i32
          %dma_wait3A_106 = arith.constant 0 : i32
          %dma_wait3A_107 = arith.constant 0 : i32
          %dma_wait3A_108 = tpu.memref_slice %arg9[%sub3A_56, %dma_wait3A_106, %dma_wait3A_107] : memref<2x80x128xf32, #tpu.memory_space<vmem>> -> memref<1x80x128xf32, #tpu.memory_space<vmem>>
          %dma_wait3A_109 = tpu.memref_squeeze %dma_wait3A_108 : memref<1x80x128xf32, #tpu.memory_space<vmem>> -> memref<80x128xf32, #tpu.memory_space<vmem>>
          %dma_wait3A_110 = arith.constant 0 : i32
          %dma_wait3A_111 = tpu.memref_slice %arg8[%sub3A_105, %dma_wait3A_110] : memref<125x80xi32, #tpu.memory_space<vmem>> -> memref<1x80xi32, #tpu.memory_space<vmem>>
          %dma_wait3A_112 = tpu.memref_squeeze %dma_wait3A_111 : memref<1x80xi32, #tpu.memory_space<vmem>> -> memref<80xi32, #tpu.memory_space<vmem>>
          %dma_wait3A_113 = arith.constant 0 : i32
          %dma_wait3A_114 = arith.constant 0 : i32
          %dma_wait3A_115 = tpu.memref_slice %arg10[%dma_wait3A_113, %dma_wait3A_114] : memref<10240x128xf32, #tpu.memory_space<vmem_shared>> -> memref<10240x128xf32, #tpu.memory_space<vmem_shared>>
          %dma_wait3A_116 = tpu.memref_slice %arg12[%sub3A_56] : memref<2x!tpu.dma_semaphore, #tpu.memory_space<semaphore_mem>> -> memref<1x!tpu.dma_semaphore, #tpu.memory_space<semaphore_mem>>
          %dma_wait3A_117 = tpu.memref_squeeze %dma_wait3A_116 : memref<1x!tpu.dma_semaphore, #tpu.memory_space<semaphore_mem>> -> memref<!tpu.dma_semaphore, #tpu.memory_space<semaphore_mem>>
          tpu.wait_indirect_dma semaphore(%dma_wait3A_117 : memref<!tpu.dma_semaphore, #tpu.memory_space<semaphore_mem>>) src(%dma_wait3A_109 : memref<80x128xf32, #tpu.memory_space<vmem>>) dst(%dma_wait3A_115 : memref<10240x128xf32, #tpu.memory_space<vmem_shared>>)
        } else {
        }
        %add3A_89 = arith.constant 1 : i32
        %add3A_90 = arith.addi %scan3A_54, %add3A_89 : i32
        %mul3A_91 = arith.constant 80 : i32
        %mul3A_92 = arith.muli %add3A_90, %mul3A_91 : i32
        %multiple_of3A_93 = tpu.assume_multiple %mul3A_92, 80 : i32
        %dma_start3A_94 = arith.constant 0 : i32
        %dma_start3A_95 = arith.constant 0 : i32
        %dma_start3A_96 = tpu.memref_slice %arg9[%sub3A_56, %dma_start3A_94, %dma_start3A_95] : memref<2x80x128xf32, #tpu.memory_space<vmem>> -> memref<1x80x128xf32, #tpu.memory_space<vmem>>
        %dma_start3A_97 = tpu.memref_squeeze %dma_start3A_96 : memref<1x80x128xf32, #tpu.memory_space<vmem>> -> memref<80x128xf32, #tpu.memory_space<vmem>>
        %dma_start3A_98 = tpu.memref_slice %arg7[%multiple_of3A_93] : memref<10000xi32, #tpu.memory_space<vmem>> -> memref<80xi32, #tpu.memory_space<vmem>>
        %dma_start3A_99 = arith.constant 0 : i32
        %dma_start3A_100 = arith.constant 0 : i32
        %dma_start3A_101 = tpu.memref_slice %arg2[%dma_start3A_99, %dma_start3A_100] : memref<10240x128xf32, #tpu.memory_space<hbm>> -> memref<10240x128xf32, #tpu.memory_space<hbm>>
        %dma_start3A_102 = tpu.memref_slice %arg11[%sub3A_56] : memref<2x!tpu.dma_semaphore, #tpu.memory_space<semaphore_mem>> -> memref<1x!tpu.dma_semaphore, #tpu.memory_space<semaphore_mem>>
        %dma_start3A_103 = tpu.memref_squeeze %dma_start3A_102 : memref<1x!tpu.dma_semaphore, #tpu.memory_space<semaphore_mem>> -> memref<!tpu.dma_semaphore, #tpu.memory_space<semaphore_mem>>
        tpu.enqueue_indirect_dma source(%dma_start3A_101 : memref<10240x128xf32, #tpu.memory_space<hbm>>) target(%dma_start3A_97 : memref<80x128xf32, #tpu.memory_space<vmem>>) offsets(%dma_start3A_98 : memref<80xi32, #tpu.memory_space<vmem>>) semaphore(%dma_start3A_103 : memref<!tpu.dma_semaphore, #tpu.memory_space<semaphore_mem>>)
      } else {
      }
      %mul3A_61 = arith.constant 80 : i32
      %mul3A_62 = arith.muli %scan3A_54, %mul3A_61 : i32
      %multiple_of3A = tpu.assume_multiple %mul3A_62, 80 : i32
      %dma_wait3A_63 = arith.constant 0 : i32
      %dma_wait3A_64 = arith.constant 0 : i32
      %dma_wait3A_65 = tpu.memref_slice %arg9[%and3A_55, %dma_wait3A_63, %dma_wait3A_64] : memref<2x80x128xf32, #tpu.memory_space<vmem>> -> memref<1x80x128xf32, #tpu.memory_space<vmem>>
      %dma_wait3A_66 = tpu.memref_squeeze %dma_wait3A_65 : memref<1x80x128xf32, #tpu.memory_space<vmem>> -> memref<80x128xf32, #tpu.memory_space<vmem>>
      %dma_wait3A_67 = tpu.memref_slice %arg7[%multiple_of3A] : memref<10000xi32, #tpu.memory_space<vmem>> -> memref<80xi32, #tpu.memory_space<vmem>>
      %dma_wait3A_68 = arith.constant 0 : i32
      %dma_wait3A_69 = arith.constant 0 : i32
      %dma_wait3A_70 = tpu.memref_slice %arg2[%dma_wait3A_68, %dma_wait3A_69] : memref<10240x128xf32, #tpu.memory_space<hbm>> -> memref<10240x128xf32, #tpu.memory_space<hbm>>
      %dma_wait3A_71 = tpu.memref_slice %arg11[%and3A_55] : memref<2x!tpu.dma_semaphore, #tpu.memory_space<semaphore_mem>> -> memref<1x!tpu.dma_semaphore, #tpu.memory_space<semaphore_mem>>
      %dma_wait3A_72 = tpu.memref_squeeze %dma_wait3A_71 : memref<1x!tpu.dma_semaphore, #tpu.memory_space<semaphore_mem>> -> memref<!tpu.dma_semaphore, #tpu.memory_space<semaphore_mem>>
      tpu.wait_indirect_dma semaphore(%dma_wait3A_72 : memref<!tpu.dma_semaphore, #tpu.memory_space<semaphore_mem>>) src(%dma_wait3A_70 : memref<10240x128xf32, #tpu.memory_space<hbm>>) dst(%dma_wait3A_66 : memref<80x128xf32, #tpu.memory_space<vmem>>)
      %dma_start3A_73 = arith.constant 0 : i32
      %dma_start3A_74 = arith.constant 0 : i32
      %dma_start3A_75 = tpu.memref_slice %arg9[%and3A_55, %dma_start3A_73, %dma_start3A_74] : memref<2x80x128xf32, #tpu.memory_space<vmem>> -> memref<1x80x128xf32, #tpu.memory_space<vmem>>
      %dma_start3A_76 = tpu.memref_squeeze %dma_start3A_75 : memref<1x80x128xf32, #tpu.memory_space<vmem>> -> memref<80x128xf32, #tpu.memory_space<vmem>>
      %dma_start3A_77 = arith.constant 0 : i32
      %dma_start3A_78 = tpu.memref_slice %arg8[%scan3A_54, %dma_start3A_77] : memref<125x80xi32, #tpu.memory_space<vmem>> -> memref<1x80xi32, #tpu.memory_space<vmem>>
      %dma_start3A_79 = tpu.memref_squeeze %dma_start3A_78 : memref<1x80xi32, #tpu.memory_space<vmem>> -> memref<80xi32, #tpu.memory_space<vmem>>
      %dma_start3A_80 = arith.constant 0 : i32
      %dma_start3A_81 = arith.constant 0 : i32
      %dma_start3A_82 = tpu.memref_slice %arg10[%dma_start3A_80, %dma_start3A_81] : memref<10240x128xf32, #tpu.memory_space<vmem_shared>> -> memref<10240x128xf32, #tpu.memory_space<vmem_shared>>
      %dma_start3A_83 = tpu.memref_slice %arg12[%and3A_55] : memref<2x!tpu.dma_semaphore, #tpu.memory_space<semaphore_mem>> -> memref<1x!tpu.dma_semaphore, #tpu.memory_space<semaphore_mem>>
      %dma_start3A_84 = tpu.memref_squeeze %dma_start3A_83 : memref<1x!tpu.dma_semaphore, #tpu.memory_space<semaphore_mem>> -> memref<!tpu.dma_semaphore, #tpu.memory_space<semaphore_mem>>
      tpu.enqueue_indirect_dma source(%dma_start3A_76 : memref<80x128xf32, #tpu.memory_space<vmem>>) target(%dma_start3A_82 : memref<10240x128xf32, #tpu.memory_space<vmem_shared>>) offsets(%dma_start3A_79 : memref<80xi32, #tpu.memory_space<vmem>>) semaphore(%dma_start3A_84 : memref<!tpu.dma_semaphore, #tpu.memory_space<semaphore_mem>>) {add = true}
    }
    %scan3A_19 = arith.constant 125 : i32
    %dma_wait3A = arith.constant 0 : i32
    %dma_wait3A_20 = arith.constant 124 : i32
    %dma_wait3A_21 = arith.constant 0 : i32
    %dma_wait3A_22 = arith.constant 0 : i32
    %dma_wait3A_23 = arith.constant 0 : i32
    %dma_wait3A_24 = tpu.memref_slice %arg9[%dma_wait3A, %dma_wait3A_22, %dma_wait3A_23] : memref<2x80x128xf32, #tpu.memory_space<vmem>> -> memref<1x80x128xf32, #tpu.memory_space<vmem>>
    %dma_wait3A_25 = tpu.memref_squeeze %dma_wait3A_24 : memref<1x80x128xf32, #tpu.memory_space<vmem>> -> memref<80x128xf32, #tpu.memory_space<vmem>>
    %dma_wait3A_26 = arith.constant 0 : i32
    %dma_wait3A_27 = tpu.memref_slice %arg8[%dma_wait3A_20, %dma_wait3A_26] : memref<125x80xi32, #tpu.memory_space<vmem>> -> memref<1x80xi32, #tpu.memory_space<vmem>>
    %dma_wait3A_28 = tpu.memref_squeeze %dma_wait3A_27 : memref<1x80xi32, #tpu.memory_space<vmem>> -> memref<80xi32, #tpu.memory_space<vmem>>
    %dma_wait3A_29 = arith.constant 0 : i32
    %dma_wait3A_30 = arith.constant 0 : i32
    %dma_wait3A_31 = tpu.memref_slice %arg10[%dma_wait3A_29, %dma_wait3A_30] : memref<10240x128xf32, #tpu.memory_space<vmem_shared>> -> memref<10240x128xf32, #tpu.memory_space<vmem_shared>>
    %dma_wait3A_32 = tpu.memref_slice %arg12[%dma_wait3A_21] : memref<2x!tpu.dma_semaphore, #tpu.memory_space<semaphore_mem>> -> memref<1x!tpu.dma_semaphore, #tpu.memory_space<semaphore_mem>>
    %dma_wait3A_33 = tpu.memref_squeeze %dma_wait3A_32 : memref<1x!tpu.dma_semaphore, #tpu.memory_space<semaphore_mem>> -> memref<!tpu.dma_semaphore, #tpu.memory_space<semaphore_mem>>
    tpu.wait_indirect_dma semaphore(%dma_wait3A_33 : memref<!tpu.dma_semaphore, #tpu.memory_space<semaphore_mem>>) src(%dma_wait3A_25 : memref<80x128xf32, #tpu.memory_space<vmem>>) dst(%dma_wait3A_31 : memref<10240x128xf32, #tpu.memory_space<vmem_shared>>)
    %dma_wait3A_34 = arith.constant 1 : i32
    %dma_wait3A_35 = arith.constant 123 : i32
    %dma_wait3A_36 = arith.constant 1 : i32
    %dma_wait3A_37 = arith.constant 0 : i32
    %dma_wait3A_38 = arith.constant 0 : i32
    %dma_wait3A_39 = tpu.memref_slice %arg9[%dma_wait3A_34, %dma_wait3A_37, %dma_wait3A_38] : memref<2x80x128xf32, #tpu.memory_space<vmem>> -> memref<1x80x128xf32, #tpu.memory_space<vmem>>
    %dma_wait3A_40 = tpu.memref_squeeze %dma_wait3A_39 : memref<1x80x128xf32, #tpu.memory_space<vmem>> -> memref<80x128xf32, #tpu.memory_space<vmem>>
    %dma_wait3A_41 = arith.constant 0 : i32
    %dma_wait3A_42 = tpu.memref_slice %arg8[%dma_wait3A_35, %dma_wait3A_41] : memref<125x80xi32, #tpu.memory_space<vmem>> -> memref<1x80xi32, #tpu.memory_space<vmem>>
    %dma_wait3A_43 = tpu.memref_squeeze %dma_wait3A_42 : memref<1x80xi32, #tpu.memory_space<vmem>> -> memref<80xi32, #tpu.memory_space<vmem>>
    %dma_wait3A_44 = arith.constant 0 : i32
    %dma_wait3A_45 = arith.constant 0 : i32
    %dma_wait3A_46 = tpu.memref_slice %arg10[%dma_wait3A_44, %dma_wait3A_45] : memref<10240x128xf32, #tpu.memory_space<vmem_shared>> -> memref<10240x128xf32, #tpu.memory_space<vmem_shared>>
    %dma_wait3A_47 = tpu.memref_slice %arg12[%dma_wait3A_36] : memref<2x!tpu.dma_semaphore, #tpu.memory_space<semaphore_mem>> -> memref<1x!tpu.dma_semaphore, #tpu.memory_space<semaphore_mem>>
    %dma_wait3A_48 = tpu.memref_squeeze %dma_wait3A_47 : memref<1x!tpu.dma_semaphore, #tpu.memory_space<semaphore_mem>> -> memref<!tpu.dma_semaphore, #tpu.memory_space<semaphore_mem>>
    tpu.wait_indirect_dma semaphore(%dma_wait3A_48 : memref<!tpu.dma_semaphore, #tpu.memory_space<semaphore_mem>>) src(%dma_wait3A_40 : memref<80x128xf32, #tpu.memory_space<vmem>>) dst(%dma_wait3A_46 : memref<10240x128xf32, #tpu.memory_space<vmem_shared>>)
    %barrier3A_49 = arith.constant 0 : index
    tpu.barrier barrier_id(%barrier3A_49)
    %mul3A_50 = arith.constant 640 : i32
    %mul3A_51 = arith.muli %arg1, %mul3A_50 : i32
    %mul3A_52 = arith.constant 640 : i32
    %mul3A_53 = arith.muli %arg1, %mul3A_52 : i32
    "tpu.region"() ({
      %run_scoped3A = tpu.sem_alloc : memref<!tpu.dma_semaphore, #tpu.memory_space<semaphore_mem>>
      %dma_start3A_54 = arith.constant 0 : i32
      %dma_start3A_55 = tpu.memref_slice %arg6[%arg0, %mul3A_53, %dma_start3A_54] : memref<2x10240x128xf32, #tpu.memory_space<hbm>> -> memref<1x640x128xf32, #tpu.memory_space<hbm>>
      %dma_start3A_56 = tpu.memref_squeeze %dma_start3A_55 : memref<1x640x128xf32, #tpu.memory_space<hbm>> -> memref<640x128xf32, #tpu.memory_space<hbm>>
      %dma_start3A_57 = arith.constant 0 : i32
      %dma_start3A_58 = tpu.memref_slice %arg10[%mul3A_51, %dma_start3A_57] : memref<10240x128xf32, #tpu.memory_space<vmem_shared>> -> memref<640x128xf32, #tpu.memory_space<vmem_shared>>
      tpu.enqueue_dma source(%dma_start3A_58 : memref<640x128xf32, #tpu.memory_space<vmem_shared>>) target(%dma_start3A_56 : memref<640x128xf32, #tpu.memory_space<hbm>>) target_semaphore(%run_scoped3A : memref<!tpu.dma_semaphore, #tpu.memory_space<semaphore_mem>>)
      %dma_wait3A_59 = arith.constant 0 : i32
      %dma_wait3A_60 = tpu.memref_slice %arg6[%arg0, %mul3A_53, %dma_wait3A_59] : memref<2x10240x128xf32, #tpu.memory_space<hbm>> -> memref<1x640x128xf32, #tpu.memory_space<hbm>>
      %dma_wait3A_61 = tpu.memref_squeeze %dma_wait3A_60 : memref<1x640x128xf32, #tpu.memory_space<hbm>> -> memref<640x128xf32, #tpu.memory_space<hbm>>
      %dma_wait3A_62 = arith.constant 0 : i32
      %dma_wait3A_63 = tpu.memref_slice %arg10[%mul3A_51, %dma_wait3A_62] : memref<10240x128xf32, #tpu.memory_space<vmem_shared>> -> memref<640x128xf32, #tpu.memory_space<vmem_shared>>
      tpu.wait_dma2 semaphore(%run_scoped3A : memref<!tpu.dma_semaphore, #tpu.memory_space<semaphore_mem>>) src(%dma_wait3A_63 : memref<640x128xf32, #tpu.memory_space<vmem_shared>>) dst(%dma_wait3A_61 : memref<640x128xf32, #tpu.memory_space<hbm>>)
      tpu.yield
    }) : () -> ()
    return
  }
}

#map = affine_map<(d0, d1) -> (0, 0, 0)>
#map1 = affine_map<(d0, d1) -> (0, 0)>
module attributes {stable_mosaic.version = 14 : i64} {
  func.func @degk(%arg0: i32, %arg1: i32, %arg2: memref<32x125x80xi32, #tpu.memory_space<hbm>>, %arg3: memref<80x128xf32, #tpu.memory_space<hbm>>, %arg4: memref<640x128xf32, #tpu.memory_space<hbm>>, %arg5: memref<2x10240x128xf32, #tpu.memory_space<hbm>>, %arg6: memref<125x80xi32, #tpu.memory_space<vmem>>, %arg7: memref<80x128xf32, #tpu.memory_space<vmem>>, %arg8: memref<10240x128xf32, #tpu.memory_space<vmem_shared>>, %arg9: memref<2x!tpu.dma_semaphore, #tpu.memory_space<semaphore_mem>>) attributes {dimension_semantics = [#tpu.dimension_semantics<core_parallel>, #tpu.dimension_semantics<subcore_parallel>], iteration_bounds = array<i64: 2, 16>, scalar_prefetch = 0 : i64, scratch_operands = 4 : i64, tpu.core_type = #tpu.core_type<sc_vector_subcore>, window_params = [{transform_indices = #map}, {transform_indices = #map1}, {transform_indices = #map1}, {transform_indices = #map}]} {
    %mul3A = arith.constant 16 : i32
    %mul3A_0 = arith.muli %arg0, %mul3A : i32
    %add3A = arith.addi %mul3A_0, %arg1 : i32
    "tpu.region"() ({
      %run_scoped3A = tpu.sem_alloc : memref<!tpu.dma_semaphore, #tpu.memory_space<semaphore_mem>>
      tpu.enqueue_dma source(%arg3 : memref<80x128xf32, #tpu.memory_space<hbm>>) target(%arg7 : memref<80x128xf32, #tpu.memory_space<vmem>>) target_semaphore(%run_scoped3A : memref<!tpu.dma_semaphore, #tpu.memory_space<semaphore_mem>>)
      tpu.wait_dma2 semaphore(%run_scoped3A : memref<!tpu.dma_semaphore, #tpu.memory_space<semaphore_mem>>) src(%arg3 : memref<80x128xf32, #tpu.memory_space<hbm>>) dst(%arg7 : memref<80x128xf32, #tpu.memory_space<vmem>>)
      tpu.yield
    }) : () -> ()
    "tpu.region"() ({
      %run_scoped3A = tpu.sem_alloc : memref<!tpu.dma_semaphore, #tpu.memory_space<semaphore_mem>>
      %dma_start3A = arith.constant 0 : i32
      %dma_start3A_32 = arith.constant 0 : i32
      %dma_start3A_33 = tpu.memref_slice %arg2[%add3A, %dma_start3A, %dma_start3A_32] : memref<32x125x80xi32, #tpu.memory_space<hbm>> -> memref<1x125x80xi32, #tpu.memory_space<hbm>>
      %dma_start3A_34 = tpu.memref_squeeze %dma_start3A_33 : memref<1x125x80xi32, #tpu.memory_space<hbm>> -> memref<125x80xi32, #tpu.memory_space<hbm>>
      %dma_start3A_35 = arith.constant 0 : i32
      %dma_start3A_36 = arith.constant 0 : i32
      %dma_start3A_37 = tpu.memref_slice %arg2[%add3A, %dma_start3A_35, %dma_start3A_36] : memref<32x125x80xi32, #tpu.memory_space<hbm>> -> memref<1x125x80xi32, #tpu.memory_space<hbm>>
      %dma_start3A_38 = tpu.memref_squeeze %dma_start3A_37 : memref<1x125x80xi32, #tpu.memory_space<hbm>> -> memref<125x80xi32, #tpu.memory_space<hbm>>
      tpu.enqueue_dma source(%dma_start3A_38 : memref<125x80xi32, #tpu.memory_space<hbm>>) target(%arg6 : memref<125x80xi32, #tpu.memory_space<vmem>>) target_semaphore(%run_scoped3A : memref<!tpu.dma_semaphore, #tpu.memory_space<semaphore_mem>>)
      %dma_wait3A_39 = arith.constant 0 : i32
      %dma_wait3A_40 = arith.constant 0 : i32
      %dma_wait3A_41 = tpu.memref_slice %arg2[%add3A, %dma_wait3A_39, %dma_wait3A_40] : memref<32x125x80xi32, #tpu.memory_space<hbm>> -> memref<1x125x80xi32, #tpu.memory_space<hbm>>
      %dma_wait3A_42 = tpu.memref_squeeze %dma_wait3A_41 : memref<1x125x80xi32, #tpu.memory_space<hbm>> -> memref<125x80xi32, #tpu.memory_space<hbm>>
      %dma_wait3A_43 = arith.constant 0 : i32
      %dma_wait3A_44 = arith.constant 0 : i32
      %dma_wait3A_45 = tpu.memref_slice %arg2[%add3A, %dma_wait3A_43, %dma_wait3A_44] : memref<32x125x80xi32, #tpu.memory_space<hbm>> -> memref<1x125x80xi32, #tpu.memory_space<hbm>>
      %dma_wait3A_46 = tpu.memref_squeeze %dma_wait3A_45 : memref<1x125x80xi32, #tpu.memory_space<hbm>> -> memref<125x80xi32, #tpu.memory_space<hbm>>
      tpu.wait_dma2 semaphore(%run_scoped3A : memref<!tpu.dma_semaphore, #tpu.memory_space<semaphore_mem>>) src(%dma_wait3A_46 : memref<125x80xi32, #tpu.memory_space<hbm>>) dst(%arg6 : memref<125x80xi32, #tpu.memory_space<vmem>>)
      tpu.yield
    }) : () -> ()
    %mul3A_1 = arith.constant 640 : i32
    %mul3A_2 = arith.muli %arg1, %mul3A_1 : i32
    "tpu.region"() ({
      %run_scoped3A = tpu.sem_alloc : memref<!tpu.dma_semaphore, #tpu.memory_space<semaphore_mem>>
      %dma_start3A = arith.constant 0 : i32
      %dma_start3A_32 = tpu.memref_slice %arg8[%mul3A_2, %dma_start3A] : memref<10240x128xf32, #tpu.memory_space<vmem_shared>> -> memref<640x128xf32, #tpu.memory_space<vmem_shared>>
      tpu.enqueue_dma source(%arg4 : memref<640x128xf32, #tpu.memory_space<hbm>>) target(%dma_start3A_32 : memref<640x128xf32, #tpu.memory_space<vmem_shared>>) target_semaphore(%run_scoped3A : memref<!tpu.dma_semaphore, #tpu.memory_space<semaphore_mem>>)
      %dma_wait3A_33 = arith.constant 0 : i32
      %dma_wait3A_34 = tpu.memref_slice %arg8[%mul3A_2, %dma_wait3A_33] : memref<10240x128xf32, #tpu.memory_space<vmem_shared>> -> memref<640x128xf32, #tpu.memory_space<vmem_shared>>
      tpu.wait_dma2 semaphore(%run_scoped3A : memref<!tpu.dma_semaphore, #tpu.memory_space<semaphore_mem>>) src(%arg4 : memref<640x128xf32, #tpu.memory_space<hbm>>) dst(%dma_wait3A_34 : memref<640x128xf32, #tpu.memory_space<vmem_shared>>)
      tpu.yield
    }) : () -> ()
    %barrier3A = arith.constant 0 : index
    tpu.barrier barrier_id(%barrier3A)
    %scan3A = arith.constant 0 : i32
    %scan3A_3 = arith.constant 0 : i32
    %scan3A_4 = arith.constant 125 : i32
    %scan3A_5 = arith.addi %scan3A_3, %scan3A_4 : i32
    %scan3A_6 = arith.constant 1 : i32
    scf.for %scan3A_32 = %scan3A_3 to %scan3A_5 step %scan3A_6  : i32 {
      %and3A = arith.constant 1 : i32
      %and3A_33 = arith.andi %scan3A_32, %and3A : i32
      %ge3A = arith.constant 2 : i32
      %ge3A_34 = arith.cmpi sge, %scan3A_32, %ge3A : i32
      %convert_element_type3A = arith.extui %ge3A_34 : i1 to i32
      %cond3A = arith.constant 0 : i32
      %cond3A_35 = arith.cmpi ne, %convert_element_type3A, %cond3A : i32
      scf.if %cond3A_35 {
        %sub3A = arith.constant 2 : i32
        %sub3A_43 = arith.subi %scan3A_32, %sub3A : i32
        %dma_wait3A_44 = arith.constant 0 : i32
        %dma_wait3A_45 = tpu.memref_slice %arg6[%sub3A_43, %dma_wait3A_44] : memref<125x80xi32, #tpu.memory_space<vmem>> -> memref<1x80xi32, #tpu.memory_space<vmem>>
        %dma_wait3A_46 = tpu.memref_squeeze %dma_wait3A_45 : memref<1x80xi32, #tpu.memory_space<vmem>> -> memref<80xi32, #tpu.memory_space<vmem>>
        %dma_wait3A_47 = arith.constant 0 : i32
        %dma_wait3A_48 = arith.constant 0 : i32
        %dma_wait3A_49 = tpu.memref_slice %arg8[%dma_wait3A_47, %dma_wait3A_48] : memref<10240x128xf32, #tpu.memory_space<vmem_shared>> -> memref<10240x128xf32, #tpu.memory_space<vmem_shared>>
        %dma_wait3A_50 = tpu.memref_slice %arg9[%and3A_33] : memref<2x!tpu.dma_semaphore, #tpu.memory_space<semaphore_mem>> -> memref<1x!tpu.dma_semaphore, #tpu.memory_space<semaphore_mem>>
        %dma_wait3A_51 = tpu.memref_squeeze %dma_wait3A_50 : memref<1x!tpu.dma_semaphore, #tpu.memory_space<semaphore_mem>> -> memref<!tpu.dma_semaphore, #tpu.memory_space<semaphore_mem>>
        tpu.wait_indirect_dma semaphore(%dma_wait3A_51 : memref<!tpu.dma_semaphore, #tpu.memory_space<semaphore_mem>>) src(%arg7 : memref<80x128xf32, #tpu.memory_space<vmem>>) dst(%dma_wait3A_49 : memref<10240x128xf32, #tpu.memory_space<vmem_shared>>)
      } else {
      }
      %dma_start3A = arith.constant 0 : i32
      %dma_start3A_36 = tpu.memref_slice %arg6[%scan3A_32, %dma_start3A] : memref<125x80xi32, #tpu.memory_space<vmem>> -> memref<1x80xi32, #tpu.memory_space<vmem>>
      %dma_start3A_37 = tpu.memref_squeeze %dma_start3A_36 : memref<1x80xi32, #tpu.memory_space<vmem>> -> memref<80xi32, #tpu.memory_space<vmem>>
      %dma_start3A_38 = arith.constant 0 : i32
      %dma_start3A_39 = arith.constant 0 : i32
      %dma_start3A_40 = tpu.memref_slice %arg8[%dma_start3A_38, %dma_start3A_39] : memref<10240x128xf32, #tpu.memory_space<vmem_shared>> -> memref<10240x128xf32, #tpu.memory_space<vmem_shared>>
      %dma_start3A_41 = tpu.memref_slice %arg9[%and3A_33] : memref<2x!tpu.dma_semaphore, #tpu.memory_space<semaphore_mem>> -> memref<1x!tpu.dma_semaphore, #tpu.memory_space<semaphore_mem>>
      %dma_start3A_42 = tpu.memref_squeeze %dma_start3A_41 : memref<1x!tpu.dma_semaphore, #tpu.memory_space<semaphore_mem>> -> memref<!tpu.dma_semaphore, #tpu.memory_space<semaphore_mem>>
      tpu.enqueue_indirect_dma source(%arg7 : memref<80x128xf32, #tpu.memory_space<vmem>>) target(%dma_start3A_40 : memref<10240x128xf32, #tpu.memory_space<vmem_shared>>) offsets(%dma_start3A_37 : memref<80xi32, #tpu.memory_space<vmem>>) semaphore(%dma_start3A_42 : memref<!tpu.dma_semaphore, #tpu.memory_space<semaphore_mem>>) {add = true}
    }
    %scan3A_7 = arith.constant 125 : i32
    %dma_wait3A = arith.constant 0 : i32
    %dma_wait3A_8 = arith.constant 0 : i32
    %dma_wait3A_9 = arith.constant 0 : i32
    %dma_wait3A_10 = tpu.memref_slice %arg6[%dma_wait3A, %dma_wait3A_9] : memref<125x80xi32, #tpu.memory_space<vmem>> -> memref<1x80xi32, #tpu.memory_space<vmem>>
    %dma_wait3A_11 = tpu.memref_squeeze %dma_wait3A_10 : memref<1x80xi32, #tpu.memory_space<vmem>> -> memref<80xi32, #tpu.memory_space<vmem>>
    %dma_wait3A_12 = arith.constant 0 : i32
    %dma_wait3A_13 = arith.constant 0 : i32
    %dma_wait3A_14 = tpu.memref_slice %arg8[%dma_wait3A_12, %dma_wait3A_13] : memref<10240x128xf32, #tpu.memory_space<vmem_shared>> -> memref<10240x128xf32, #tpu.memory_space<vmem_shared>>
    %dma_wait3A_15 = tpu.memref_slice %arg9[%dma_wait3A_8] : memref<2x!tpu.dma_semaphore, #tpu.memory_space<semaphore_mem>> -> memref<1x!tpu.dma_semaphore, #tpu.memory_space<semaphore_mem>>
    %dma_wait3A_16 = tpu.memref_squeeze %dma_wait3A_15 : memref<1x!tpu.dma_semaphore, #tpu.memory_space<semaphore_mem>> -> memref<!tpu.dma_semaphore, #tpu.memory_space<semaphore_mem>>
    tpu.wait_indirect_dma semaphore(%dma_wait3A_16 : memref<!tpu.dma_semaphore, #tpu.memory_space<semaphore_mem>>) src(%arg7 : memref<80x128xf32, #tpu.memory_space<vmem>>) dst(%dma_wait3A_14 : memref<10240x128xf32, #tpu.memory_space<vmem_shared>>)
    %dma_wait3A_17 = arith.constant 0 : i32
    %dma_wait3A_18 = arith.constant 1 : i32
    %dma_wait3A_19 = arith.constant 0 : i32
    %dma_wait3A_20 = tpu.memref_slice %arg6[%dma_wait3A_17, %dma_wait3A_19] : memref<125x80xi32, #tpu.memory_space<vmem>> -> memref<1x80xi32, #tpu.memory_space<vmem>>
    %dma_wait3A_21 = tpu.memref_squeeze %dma_wait3A_20 : memref<1x80xi32, #tpu.memory_space<vmem>> -> memref<80xi32, #tpu.memory_space<vmem>>
    %dma_wait3A_22 = arith.constant 0 : i32
    %dma_wait3A_23 = arith.constant 0 : i32
    %dma_wait3A_24 = tpu.memref_slice %arg8[%dma_wait3A_22, %dma_wait3A_23] : memref<10240x128xf32, #tpu.memory_space<vmem_shared>> -> memref<10240x128xf32, #tpu.memory_space<vmem_shared>>
    %dma_wait3A_25 = tpu.memref_slice %arg9[%dma_wait3A_18] : memref<2x!tpu.dma_semaphore, #tpu.memory_space<semaphore_mem>> -> memref<1x!tpu.dma_semaphore, #tpu.memory_space<semaphore_mem>>
    %dma_wait3A_26 = tpu.memref_squeeze %dma_wait3A_25 : memref<1x!tpu.dma_semaphore, #tpu.memory_space<semaphore_mem>> -> memref<!tpu.dma_semaphore, #tpu.memory_space<semaphore_mem>>
    tpu.wait_indirect_dma semaphore(%dma_wait3A_26 : memref<!tpu.dma_semaphore, #tpu.memory_space<semaphore_mem>>) src(%arg7 : memref<80x128xf32, #tpu.memory_space<vmem>>) dst(%dma_wait3A_24 : memref<10240x128xf32, #tpu.memory_space<vmem_shared>>)
    %barrier3A_27 = arith.constant 0 : index
    tpu.barrier barrier_id(%barrier3A_27)
    %mul3A_28 = arith.constant 640 : i32
    %mul3A_29 = arith.muli %arg1, %mul3A_28 : i32
    %mul3A_30 = arith.constant 640 : i32
    %mul3A_31 = arith.muli %arg1, %mul3A_30 : i32
    "tpu.region"() ({
      %run_scoped3A = tpu.sem_alloc : memref<!tpu.dma_semaphore, #tpu.memory_space<semaphore_mem>>
      %dma_start3A = arith.constant 0 : i32
      %dma_start3A_32 = tpu.memref_slice %arg5[%arg0, %mul3A_31, %dma_start3A] : memref<2x10240x128xf32, #tpu.memory_space<hbm>> -> memref<1x640x128xf32, #tpu.memory_space<hbm>>
      %dma_start3A_33 = tpu.memref_squeeze %dma_start3A_32 : memref<1x640x128xf32, #tpu.memory_space<hbm>> -> memref<640x128xf32, #tpu.memory_space<hbm>>
      %dma_start3A_34 = arith.constant 0 : i32
      %dma_start3A_35 = tpu.memref_slice %arg8[%mul3A_29, %dma_start3A_34] : memref<10240x128xf32, #tpu.memory_space<vmem_shared>> -> memref<640x128xf32, #tpu.memory_space<vmem_shared>>
      tpu.enqueue_dma source(%dma_start3A_35 : memref<640x128xf32, #tpu.memory_space<vmem_shared>>) target(%dma_start3A_33 : memref<640x128xf32, #tpu.memory_space<hbm>>) target_semaphore(%run_scoped3A : memref<!tpu.dma_semaphore, #tpu.memory_space<semaphore_mem>>)
      %dma_wait3A_36 = arith.constant 0 : i32
      %dma_wait3A_37 = tpu.memref_slice %arg5[%arg0, %mul3A_31, %dma_wait3A_36] : memref<2x10240x128xf32, #tpu.memory_space<hbm>> -> memref<1x640x128xf32, #tpu.memory_space<hbm>>
      %dma_wait3A_38 = tpu.memref_squeeze %dma_wait3A_37 : memref<1x640x128xf32, #tpu.memory_space<hbm>> -> memref<640x128xf32, #tpu.memory_space<hbm>>
      %dma_wait3A_39 = arith.constant 0 : i32
      %dma_wait3A_40 = tpu.memref_slice %arg8[%mul3A_29, %dma_wait3A_39] : memref<10240x128xf32, #tpu.memory_space<vmem_shared>> -> memref<640x128xf32, #tpu.memory_space<vmem_shared>>
      tpu.wait_dma2 semaphore(%run_scoped3A : memref<!tpu.dma_semaphore, #tpu.memory_space<semaphore_mem>>) src(%dma_wait3A_40 : memref<640x128xf32, #tpu.memory_space<vmem_shared>>) dst(%dma_wait3A_38 : memref<640x128xf32, #tpu.memory_space<hbm>>)
      tpu.yield
    }) : () -> ()
    return
  }
}

#map = affine_map<(d0, d1) -> (0, 0)>
#map1 = affine_map<(d0, d1) -> (0, 0, 0)>
module attributes {stable_mosaic.version = 14 : i64} {
  func.func @_spmm_kernel(%arg0: i32, %arg1: i32, %arg2: memref<10240x128xf32, #tpu.memory_space<hbm>>, %arg3: memref<32x10000xi32, #tpu.memory_space<hbm>>, %arg4: memref<32x125x80xi32, #tpu.memory_space<hbm>>, %arg5: memref<640x128xf32, #tpu.memory_space<hbm>>, %arg6: memref<2x10240x128xf32, #tpu.memory_space<hbm>>, %arg7: memref<10000xi32, #tpu.memory_space<vmem>>, %arg8: memref<125x80xi32, #tpu.memory_space<vmem>>, %arg9: memref<2x80x128xf32, #tpu.memory_space<vmem>>, %arg10: memref<10240x128xf32, #tpu.memory_space<vmem_shared>>, %arg11: memref<2x!tpu.dma_semaphore, #tpu.memory_space<semaphore_mem>>, %arg12: memref<2x!tpu.dma_semaphore, #tpu.memory_space<semaphore_mem>>) attributes {dimension_semantics = [#tpu.dimension_semantics<core_parallel>, #tpu.dimension_semantics<subcore_parallel>], iteration_bounds = array<i64: 2, 16>, scalar_prefetch = 0 : i64, scratch_operands = 6 : i64, tpu.core_type = #tpu.core_type<sc_vector_subcore>, window_params = [{transform_indices = #map}, {transform_indices = #map}, {transform_indices = #map1}, {transform_indices = #map}, {transform_indices = #map1}]} {
    %mul3A = arith.constant 16 : i32
    %mul3A_0 = arith.muli %arg0, %mul3A : i32
    %add3A = arith.addi %mul3A_0, %arg1 : i32
    "tpu.region"() ({
      %run_scoped3A = tpu.sem_alloc : memref<!tpu.dma_semaphore, #tpu.memory_space<semaphore_mem>>
      %dma_start3A_54 = arith.constant 0 : i32
      %dma_start3A_55 = tpu.memref_slice %arg3[%add3A, %dma_start3A_54] : memref<32x10000xi32, #tpu.memory_space<hbm>> -> memref<1x10000xi32, #tpu.memory_space<hbm>>
      %dma_start3A_56 = tpu.memref_squeeze %dma_start3A_55 : memref<1x10000xi32, #tpu.memory_space<hbm>> -> memref<10000xi32, #tpu.memory_space<hbm>>
      %dma_start3A_57 = arith.constant 0 : i32
      %dma_start3A_58 = tpu.memref_slice %arg3[%add3A, %dma_start3A_57] : memref<32x10000xi32, #tpu.memory_space<hbm>> -> memref<1x10000xi32, #tpu.memory_space<hbm>>
      %dma_start3A_59 = tpu.memref_squeeze %dma_start3A_58 : memref<1x10000xi32, #tpu.memory_space<hbm>> -> memref<10000xi32, #tpu.memory_space<hbm>>
      tpu.enqueue_dma source(%dma_start3A_59 : memref<10000xi32, #tpu.memory_space<hbm>>) target(%arg7 : memref<10000xi32, #tpu.memory_space<vmem>>) target_semaphore(%run_scoped3A : memref<!tpu.dma_semaphore, #tpu.memory_space<semaphore_mem>>)
      %dma_wait3A_60 = arith.constant 0 : i32
      %dma_wait3A_61 = tpu.memref_slice %arg3[%add3A, %dma_wait3A_60] : memref<32x10000xi32, #tpu.memory_space<hbm>> -> memref<1x10000xi32, #tpu.memory_space<hbm>>
      %dma_wait3A_62 = tpu.memref_squeeze %dma_wait3A_61 : memref<1x10000xi32, #tpu.memory_space<hbm>> -> memref<10000xi32, #tpu.memory_space<hbm>>
      %dma_wait3A_63 = arith.constant 0 : i32
      %dma_wait3A_64 = tpu.memref_slice %arg3[%add3A, %dma_wait3A_63] : memref<32x10000xi32, #tpu.memory_space<hbm>> -> memref<1x10000xi32, #tpu.memory_space<hbm>>
      %dma_wait3A_65 = tpu.memref_squeeze %dma_wait3A_64 : memref<1x10000xi32, #tpu.memory_space<hbm>> -> memref<10000xi32, #tpu.memory_space<hbm>>
      tpu.wait_dma2 semaphore(%run_scoped3A : memref<!tpu.dma_semaphore, #tpu.memory_space<semaphore_mem>>) src(%dma_wait3A_65 : memref<10000xi32, #tpu.memory_space<hbm>>) dst(%arg7 : memref<10000xi32, #tpu.memory_space<vmem>>)
      tpu.yield
    }) : () -> ()
    "tpu.region"() ({
      %run_scoped3A = tpu.sem_alloc : memref<!tpu.dma_semaphore, #tpu.memory_space<semaphore_mem>>
      %dma_start3A_54 = arith.constant 0 : i32
      %dma_start3A_55 = arith.constant 0 : i32
      %dma_start3A_56 = tpu.memref_slice %arg4[%add3A, %dma_start3A_54, %dma_start3A_55] : memref<32x125x80xi32, #tpu.memory_space<hbm>> -> memref<1x125x80xi32, #tpu.memory_space<hbm>>
      %dma_start3A_57 = tpu.memref_squeeze %dma_start3A_56 : memref<1x125x80xi32, #tpu.memory_space<hbm>> -> memref<125x80xi32, #tpu.memory_space<hbm>>
      %dma_start3A_58 = arith.constant 0 : i32
      %dma_start3A_59 = arith.constant 0 : i32
      %dma_start3A_60 = tpu.memref_slice %arg4[%add3A, %dma_start3A_58, %dma_start3A_59] : memref<32x125x80xi32, #tpu.memory_space<hbm>> -> memref<1x125x80xi32, #tpu.memory_space<hbm>>
      %dma_start3A_61 = tpu.memref_squeeze %dma_start3A_60 : memref<1x125x80xi32, #tpu.memory_space<hbm>> -> memref<125x80xi32, #tpu.memory_space<hbm>>
      tpu.enqueue_dma source(%dma_start3A_61 : memref<125x80xi32, #tpu.memory_space<hbm>>) target(%arg8 : memref<125x80xi32, #tpu.memory_space<vmem>>) target_semaphore(%run_scoped3A : memref<!tpu.dma_semaphore, #tpu.memory_space<semaphore_mem>>)
      %dma_wait3A_62 = arith.constant 0 : i32
      %dma_wait3A_63 = arith.constant 0 : i32
      %dma_wait3A_64 = tpu.memref_slice %arg4[%add3A, %dma_wait3A_62, %dma_wait3A_63] : memref<32x125x80xi32, #tpu.memory_space<hbm>> -> memref<1x125x80xi32, #tpu.memory_space<hbm>>
      %dma_wait3A_65 = tpu.memref_squeeze %dma_wait3A_64 : memref<1x125x80xi32, #tpu.memory_space<hbm>> -> memref<125x80xi32, #tpu.memory_space<hbm>>
      %dma_wait3A_66 = arith.constant 0 : i32
      %dma_wait3A_67 = arith.constant 0 : i32
      %dma_wait3A_68 = tpu.memref_slice %arg4[%add3A, %dma_wait3A_66, %dma_wait3A_67] : memref<32x125x80xi32, #tpu.memory_space<hbm>> -> memref<1x125x80xi32, #tpu.memory_space<hbm>>
      %dma_wait3A_69 = tpu.memref_squeeze %dma_wait3A_68 : memref<1x125x80xi32, #tpu.memory_space<hbm>> -> memref<125x80xi32, #tpu.memory_space<hbm>>
      tpu.wait_dma2 semaphore(%run_scoped3A : memref<!tpu.dma_semaphore, #tpu.memory_space<semaphore_mem>>) src(%dma_wait3A_69 : memref<125x80xi32, #tpu.memory_space<hbm>>) dst(%arg8 : memref<125x80xi32, #tpu.memory_space<vmem>>)
      tpu.yield
    }) : () -> ()
    %mul3A_1 = arith.constant 640 : i32
    %mul3A_2 = arith.muli %arg1, %mul3A_1 : i32
    "tpu.region"() ({
      %run_scoped3A = tpu.sem_alloc : memref<!tpu.dma_semaphore, #tpu.memory_space<semaphore_mem>>
      %dma_start3A_54 = arith.constant 0 : i32
      %dma_start3A_55 = tpu.memref_slice %arg10[%mul3A_2, %dma_start3A_54] : memref<10240x128xf32, #tpu.memory_space<vmem_shared>> -> memref<640x128xf32, #tpu.memory_space<vmem_shared>>
      tpu.enqueue_dma source(%arg5 : memref<640x128xf32, #tpu.memory_space<hbm>>) target(%dma_start3A_55 : memref<640x128xf32, #tpu.memory_space<vmem_shared>>) target_semaphore(%run_scoped3A : memref<!tpu.dma_semaphore, #tpu.memory_space<semaphore_mem>>)
      %dma_wait3A_56 = arith.constant 0 : i32
      %dma_wait3A_57 = tpu.memref_slice %arg10[%mul3A_2, %dma_wait3A_56] : memref<10240x128xf32, #tpu.memory_space<vmem_shared>> -> memref<640x128xf32, #tpu.memory_space<vmem_shared>>
      tpu.wait_dma2 semaphore(%run_scoped3A : memref<!tpu.dma_semaphore, #tpu.memory_space<semaphore_mem>>) src(%arg5 : memref<640x128xf32, #tpu.memory_space<hbm>>) dst(%dma_wait3A_57 : memref<640x128xf32, #tpu.memory_space<vmem_shared>>)
      tpu.yield
    }) : () -> ()
    %barrier3A = arith.constant 0 : index
    tpu.barrier barrier_id(%barrier3A)
    %dma_start3A = arith.constant 0 : i32
    %dma_start3A_3 = arith.constant 0 : i32
    %dma_start3A_4 = arith.constant 0 : i32
    %dma_start3A_5 = arith.constant 0 : i32
    %dma_start3A_6 = tpu.memref_slice %arg9[%dma_start3A, %dma_start3A_4, %dma_start3A_5] : memref<2x80x128xf32, #tpu.memory_space<vmem>> -> memref<1x80x128xf32, #tpu.memory_space<vmem>>
    %dma_start3A_7 = tpu.memref_squeeze %dma_start3A_6 : memref<1x80x128xf32, #tpu.memory_space<vmem>> -> memref<80x128xf32, #tpu.memory_space<vmem>>
    %dma_start3A_8 = arith.constant 0 : i32
    %dma_start3A_9 = tpu.memref_slice %arg7[%dma_start3A_8] : memref<10000xi32, #tpu.memory_space<vmem>> -> memref<80xi32, #tpu.memory_space<vmem>>
    %dma_start3A_10 = arith.constant 0 : i32
    %dma_start3A_11 = arith.constant 0 : i32
    %dma_start3A_12 = tpu.memref_slice %arg2[%dma_start3A_10, %dma_start3A_11] : memref<10240x128xf32, #tpu.memory_space<hbm>> -> memref<10240x128xf32, #tpu.memory_space<hbm>>
    %dma_start3A_13 = tpu.memref_slice %arg11[%dma_start3A_3] : memref<2x!tpu.dma_semaphore, #tpu.memory_space<semaphore_mem>> -> memref<1x!tpu.dma_semaphore, #tpu.memory_space<semaphore_mem>>
    %dma_start3A_14 = tpu.memref_squeeze %dma_start3A_13 : memref<1x!tpu.dma_semaphore, #tpu.memory_space<semaphore_mem>> -> memref<!tpu.dma_semaphore, #tpu.memory_space<semaphore_mem>>
    tpu.enqueue_indirect_dma source(%dma_start3A_12 : memref<10240x128xf32, #tpu.memory_space<hbm>>) target(%dma_start3A_7 : memref<80x128xf32, #tpu.memory_space<vmem>>) offsets(%dma_start3A_9 : memref<80xi32, #tpu.memory_space<vmem>>) semaphore(%dma_start3A_14 : memref<!tpu.dma_semaphore, #tpu.memory_space<semaphore_mem>>)
    %scan3A = arith.constant 0 : i32
    %scan3A_15 = arith.constant 0 : i32
    %scan3A_16 = arith.constant 125 : i32
    %scan3A_17 = arith.addi %scan3A_15, %scan3A_16 : i32
    %scan3A_18 = arith.constant 1 : i32
    scf.for %scan3A_54 = %scan3A_15 to %scan3A_17 step %scan3A_18  : i32 {
      %and3A = arith.constant 1 : i32
      %and3A_55 = arith.andi %scan3A_54, %and3A : i32
      %sub3A = arith.constant 1 : i32
      %sub3A_56 = arith.subi %sub3A, %and3A_55 : i32
      %add3A_57 = arith.constant 1 : i32
      %add3A_58 = arith.addi %scan3A_54, %add3A_57 : i32
      %lt3A = arith.constant 125 : i32
      %lt3A_59 = arith.cmpi slt, %add3A_58, %lt3A : i32
      %convert_element_type3A = arith.extui %lt3A_59 : i1 to i32
      %cond3A = arith.constant 0 : i32
      %cond3A_60 = arith.cmpi ne, %convert_element_type3A, %cond3A : i32
      scf.if %cond3A_60 {
        %ge3A = arith.constant 1 : i32
        %ge3A_85 = arith.cmpi sge, %scan3A_54, %ge3A : i32
        %convert_element_type3A_86 = arith.extui %ge3A_85 : i1 to i32
        %cond3A_87 = arith.constant 0 : i32
        %cond3A_88 = arith.cmpi ne, %convert_element_type3A_86, %cond3A_87 : i32
        scf.if %cond3A_88 {
          %sub3A_104 = arith.constant 1 : i32
          %sub3A_105 = arith.subi %scan3A_54, %sub3A_104 : i32
          %dma_wait3A_106 = arith.constant 0 : i32
          %dma_wait3A_107 = arith.constant 0 : i32
          %dma_wait3A_108 = tpu.memref_slice %arg9[%sub3A_56, %dma_wait3A_106, %dma_wait3A_107] : memref<2x80x128xf32, #tpu.memory_space<vmem>> -> memref<1x80x128xf32, #tpu.memory_space<vmem>>
          %dma_wait3A_109 = tpu.memref_squeeze %dma_wait3A_108 : memref<1x80x128xf32, #tpu.memory_space<vmem>> -> memref<80x128xf32, #tpu.memory_space<vmem>>
          %dma_wait3A_110 = arith.constant 0 : i32
          %dma_wait3A_111 = tpu.memref_slice %arg8[%sub3A_105, %dma_wait3A_110] : memref<125x80xi32, #tpu.memory_space<vmem>> -> memref<1x80xi32, #tpu.memory_space<vmem>>
          %dma_wait3A_112 = tpu.memref_squeeze %dma_wait3A_111 : memref<1x80xi32, #tpu.memory_space<vmem>> -> memref<80xi32, #tpu.memory_space<vmem>>
          %dma_wait3A_113 = arith.constant 0 : i32
          %dma_wait3A_114 = arith.constant 0 : i32
          %dma_wait3A_115 = tpu.memref_slice %arg10[%dma_wait3A_113, %dma_wait3A_114] : memref<10240x128xf32, #tpu.memory_space<vmem_shared>> -> memref<10240x128xf32, #tpu.memory_space<vmem_shared>>
          %dma_wait3A_116 = tpu.memref_slice %arg12[%sub3A_56] : memref<2x!tpu.dma_semaphore, #tpu.memory_space<semaphore_mem>> -> memref<1x!tpu.dma_semaphore, #tpu.memory_space<semaphore_mem>>
          %dma_wait3A_117 = tpu.memref_squeeze %dma_wait3A_116 : memref<1x!tpu.dma_semaphore, #tpu.memory_space<semaphore_mem>> -> memref<!tpu.dma_semaphore, #tpu.memory_space<semaphore_mem>>
          tpu.wait_indirect_dma semaphore(%dma_wait3A_117 : memref<!tpu.dma_semaphore, #tpu.memory_space<semaphore_mem>>) src(%dma_wait3A_109 : memref<80x128xf32, #tpu.memory_space<vmem>>) dst(%dma_wait3A_115 : memref<10240x128xf32, #tpu.memory_space<vmem_shared>>)
        } else {
        }
        %add3A_89 = arith.constant 1 : i32
        %add3A_90 = arith.addi %scan3A_54, %add3A_89 : i32
        %mul3A_91 = arith.constant 80 : i32
        %mul3A_92 = arith.muli %add3A_90, %mul3A_91 : i32
        %multiple_of3A_93 = tpu.assume_multiple %mul3A_92, 80 : i32
        %dma_start3A_94 = arith.constant 0 : i32
        %dma_start3A_95 = arith.constant 0 : i32
        %dma_start3A_96 = tpu.memref_slice %arg9[%sub3A_56, %dma_start3A_94, %dma_start3A_95] : memref<2x80x128xf32, #tpu.memory_space<vmem>> -> memref<1x80x128xf32, #tpu.memory_space<vmem>>
        %dma_start3A_97 = tpu.memref_squeeze %dma_start3A_96 : memref<1x80x128xf32, #tpu.memory_space<vmem>> -> memref<80x128xf32, #tpu.memory_space<vmem>>
        %dma_start3A_98 = tpu.memref_slice %arg7[%multiple_of3A_93] : memref<10000xi32, #tpu.memory_space<vmem>> -> memref<80xi32, #tpu.memory_space<vmem>>
        %dma_start3A_99 = arith.constant 0 : i32
        %dma_start3A_100 = arith.constant 0 : i32
        %dma_start3A_101 = tpu.memref_slice %arg2[%dma_start3A_99, %dma_start3A_100] : memref<10240x128xf32, #tpu.memory_space<hbm>> -> memref<10240x128xf32, #tpu.memory_space<hbm>>
        %dma_start3A_102 = tpu.memref_slice %arg11[%sub3A_56] : memref<2x!tpu.dma_semaphore, #tpu.memory_space<semaphore_mem>> -> memref<1x!tpu.dma_semaphore, #tpu.memory_space<semaphore_mem>>
        %dma_start3A_103 = tpu.memref_squeeze %dma_start3A_102 : memref<1x!tpu.dma_semaphore, #tpu.memory_space<semaphore_mem>> -> memref<!tpu.dma_semaphore, #tpu.memory_space<semaphore_mem>>
        tpu.enqueue_indirect_dma source(%dma_start3A_101 : memref<10240x128xf32, #tpu.memory_space<hbm>>) target(%dma_start3A_97 : memref<80x128xf32, #tpu.memory_space<vmem>>) offsets(%dma_start3A_98 : memref<80xi32, #tpu.memory_space<vmem>>) semaphore(%dma_start3A_103 : memref<!tpu.dma_semaphore, #tpu.memory_space<semaphore_mem>>)
      } else {
      }
      %mul3A_61 = arith.constant 80 : i32
      %mul3A_62 = arith.muli %scan3A_54, %mul3A_61 : i32
      %multiple_of3A = tpu.assume_multiple %mul3A_62, 80 : i32
      %dma_wait3A_63 = arith.constant 0 : i32
      %dma_wait3A_64 = arith.constant 0 : i32
      %dma_wait3A_65 = tpu.memref_slice %arg9[%and3A_55, %dma_wait3A_63, %dma_wait3A_64] : memref<2x80x128xf32, #tpu.memory_space<vmem>> -> memref<1x80x128xf32, #tpu.memory_space<vmem>>
      %dma_wait3A_66 = tpu.memref_squeeze %dma_wait3A_65 : memref<1x80x128xf32, #tpu.memory_space<vmem>> -> memref<80x128xf32, #tpu.memory_space<vmem>>
      %dma_wait3A_67 = tpu.memref_slice %arg7[%multiple_of3A] : memref<10000xi32, #tpu.memory_space<vmem>> -> memref<80xi32, #tpu.memory_space<vmem>>
      %dma_wait3A_68 = arith.constant 0 : i32
      %dma_wait3A_69 = arith.constant 0 : i32
      %dma_wait3A_70 = tpu.memref_slice %arg2[%dma_wait3A_68, %dma_wait3A_69] : memref<10240x128xf32, #tpu.memory_space<hbm>> -> memref<10240x128xf32, #tpu.memory_space<hbm>>
      %dma_wait3A_71 = tpu.memref_slice %arg11[%and3A_55] : memref<2x!tpu.dma_semaphore, #tpu.memory_space<semaphore_mem>> -> memref<1x!tpu.dma_semaphore, #tpu.memory_space<semaphore_mem>>
      %dma_wait3A_72 = tpu.memref_squeeze %dma_wait3A_71 : memref<1x!tpu.dma_semaphore, #tpu.memory_space<semaphore_mem>> -> memref<!tpu.dma_semaphore, #tpu.memory_space<semaphore_mem>>
      tpu.wait_indirect_dma semaphore(%dma_wait3A_72 : memref<!tpu.dma_semaphore, #tpu.memory_space<semaphore_mem>>) src(%dma_wait3A_70 : memref<10240x128xf32, #tpu.memory_space<hbm>>) dst(%dma_wait3A_66 : memref<80x128xf32, #tpu.memory_space<vmem>>)
      %dma_start3A_73 = arith.constant 0 : i32
      %dma_start3A_74 = arith.constant 0 : i32
      %dma_start3A_75 = tpu.memref_slice %arg9[%and3A_55, %dma_start3A_73, %dma_start3A_74] : memref<2x80x128xf32, #tpu.memory_space<vmem>> -> memref<1x80x128xf32, #tpu.memory_space<vmem>>
      %dma_start3A_76 = tpu.memref_squeeze %dma_start3A_75 : memref<1x80x128xf32, #tpu.memory_space<vmem>> -> memref<80x128xf32, #tpu.memory_space<vmem>>
      %dma_start3A_77 = arith.constant 0 : i32
      %dma_start3A_78 = tpu.memref_slice %arg8[%scan3A_54, %dma_start3A_77] : memref<125x80xi32, #tpu.memory_space<vmem>> -> memref<1x80xi32, #tpu.memory_space<vmem>>
      %dma_start3A_79 = tpu.memref_squeeze %dma_start3A_78 : memref<1x80xi32, #tpu.memory_space<vmem>> -> memref<80xi32, #tpu.memory_space<vmem>>
      %dma_start3A_80 = arith.constant 0 : i32
      %dma_start3A_81 = arith.constant 0 : i32
      %dma_start3A_82 = tpu.memref_slice %arg10[%dma_start3A_80, %dma_start3A_81] : memref<10240x128xf32, #tpu.memory_space<vmem_shared>> -> memref<10240x128xf32, #tpu.memory_space<vmem_shared>>
      %dma_start3A_83 = tpu.memref_slice %arg12[%and3A_55] : memref<2x!tpu.dma_semaphore, #tpu.memory_space<semaphore_mem>> -> memref<1x!tpu.dma_semaphore, #tpu.memory_space<semaphore_mem>>
      %dma_start3A_84 = tpu.memref_squeeze %dma_start3A_83 : memref<1x!tpu.dma_semaphore, #tpu.memory_space<semaphore_mem>> -> memref<!tpu.dma_semaphore, #tpu.memory_space<semaphore_mem>>
      tpu.enqueue_indirect_dma source(%dma_start3A_76 : memref<80x128xf32, #tpu.memory_space<vmem>>) target(%dma_start3A_82 : memref<10240x128xf32, #tpu.memory_space<vmem_shared>>) offsets(%dma_start3A_79 : memref<80xi32, #tpu.memory_space<vmem>>) semaphore(%dma_start3A_84 : memref<!tpu.dma_semaphore, #tpu.memory_space<semaphore_mem>>) {add = true}
    }
    %scan3A_19 = arith.constant 125 : i32
    %dma_wait3A = arith.constant 0 : i32
    %dma_wait3A_20 = arith.constant 124 : i32
    %dma_wait3A_21 = arith.constant 0 : i32
    %dma_wait3A_22 = arith.constant 0 : i32
    %dma_wait3A_23 = arith.constant 0 : i32
    %dma_wait3A_24 = tpu.memref_slice %arg9[%dma_wait3A, %dma_wait3A_22, %dma_wait3A_23] : memref<2x80x128xf32, #tpu.memory_space<vmem>> -> memref<1x80x128xf32, #tpu.memory_space<vmem>>
    %dma_wait3A_25 = tpu.memref_squeeze %dma_wait3A_24 : memref<1x80x128xf32, #tpu.memory_space<vmem>> -> memref<80x128xf32, #tpu.memory_space<vmem>>
    %dma_wait3A_26 = arith.constant 0 : i32
    %dma_wait3A_27 = tpu.memref_slice %arg8[%dma_wait3A_20, %dma_wait3A_26] : memref<125x80xi32, #tpu.memory_space<vmem>> -> memref<1x80xi32, #tpu.memory_space<vmem>>
    %dma_wait3A_28 = tpu.memref_squeeze %dma_wait3A_27 : memref<1x80xi32, #tpu.memory_space<vmem>> -> memref<80xi32, #tpu.memory_space<vmem>>
    %dma_wait3A_29 = arith.constant 0 : i32
    %dma_wait3A_30 = arith.constant 0 : i32
    %dma_wait3A_31 = tpu.memref_slice %arg10[%dma_wait3A_29, %dma_wait3A_30] : memref<10240x128xf32, #tpu.memory_space<vmem_shared>> -> memref<10240x128xf32, #tpu.memory_space<vmem_shared>>
    %dma_wait3A_32 = tpu.memref_slice %arg12[%dma_wait3A_21] : memref<2x!tpu.dma_semaphore, #tpu.memory_space<semaphore_mem>> -> memref<1x!tpu.dma_semaphore, #tpu.memory_space<semaphore_mem>>
    %dma_wait3A_33 = tpu.memref_squeeze %dma_wait3A_32 : memref<1x!tpu.dma_semaphore, #tpu.memory_space<semaphore_mem>> -> memref<!tpu.dma_semaphore, #tpu.memory_space<semaphore_mem>>
    tpu.wait_indirect_dma semaphore(%dma_wait3A_33 : memref<!tpu.dma_semaphore, #tpu.memory_space<semaphore_mem>>) src(%dma_wait3A_25 : memref<80x128xf32, #tpu.memory_space<vmem>>) dst(%dma_wait3A_31 : memref<10240x128xf32, #tpu.memory_space<vmem_shared>>)
    %dma_wait3A_34 = arith.constant 1 : i32
    %dma_wait3A_35 = arith.constant 123 : i32
    %dma_wait3A_36 = arith.constant 1 : i32
    %dma_wait3A_37 = arith.constant 0 : i32
    %dma_wait3A_38 = arith.constant 0 : i32
    %dma_wait3A_39 = tpu.memref_slice %arg9[%dma_wait3A_34, %dma_wait3A_37, %dma_wait3A_38] : memref<2x80x128xf32, #tpu.memory_space<vmem>> -> memref<1x80x128xf32, #tpu.memory_space<vmem>>
    %dma_wait3A_40 = tpu.memref_squeeze %dma_wait3A_39 : memref<1x80x128xf32, #tpu.memory_space<vmem>> -> memref<80x128xf32, #tpu.memory_space<vmem>>
    %dma_wait3A_41 = arith.constant 0 : i32
    %dma_wait3A_42 = tpu.memref_slice %arg8[%dma_wait3A_35, %dma_wait3A_41] : memref<125x80xi32, #tpu.memory_space<vmem>> -> memref<1x80xi32, #tpu.memory_space<vmem>>
    %dma_wait3A_43 = tpu.memref_squeeze %dma_wait3A_42 : memref<1x80xi32, #tpu.memory_space<vmem>> -> memref<80xi32, #tpu.memory_space<vmem>>
    %dma_wait3A_44 = arith.constant 0 : i32
    %dma_wait3A_45 = arith.constant 0 : i32
    %dma_wait3A_46 = tpu.memref_slice %arg10[%dma_wait3A_44, %dma_wait3A_45] : memref<10240x128xf32, #tpu.memory_space<vmem_shared>> -> memref<10240x128xf32, #tpu.memory_space<vmem_shared>>
    %dma_wait3A_47 = tpu.memref_slice %arg12[%dma_wait3A_36] : memref<2x!tpu.dma_semaphore, #tpu.memory_space<semaphore_mem>> -> memref<1x!tpu.dma_semaphore, #tpu.memory_space<semaphore_mem>>
    %dma_wait3A_48 = tpu.memref_squeeze %dma_wait3A_47 : memref<1x!tpu.dma_semaphore, #tpu.memory_space<semaphore_mem>> -> memref<!tpu.dma_semaphore, #tpu.memory_space<semaphore_mem>>
    tpu.wait_indirect_dma semaphore(%dma_wait3A_48 : memref<!tpu.dma_semaphore, #tpu.memory_space<semaphore_mem>>) src(%dma_wait3A_40 : memref<80x128xf32, #tpu.memory_space<vmem>>) dst(%dma_wait3A_46 : memref<10240x128xf32, #tpu.memory_space<vmem_shared>>)
    %barrier3A_49 = arith.constant 0 : index
    tpu.barrier barrier_id(%barrier3A_49)
    %mul3A_50 = arith.constant 640 : i32
    %mul3A_51 = arith.muli %arg1, %mul3A_50 : i32
    %mul3A_52 = arith.constant 640 : i32
    %mul3A_53 = arith.muli %arg1, %mul3A_52 : i32
    "tpu.region"() ({
      %run_scoped3A = tpu.sem_alloc : memref<!tpu.dma_semaphore, #tpu.memory_space<semaphore_mem>>
      %dma_start3A_54 = arith.constant 0 : i32
      %dma_start3A_55 = tpu.memref_slice %arg6[%arg0, %mul3A_53, %dma_start3A_54] : memref<2x10240x128xf32, #tpu.memory_space<hbm>> -> memref<1x640x128xf32, #tpu.memory_space<hbm>>
      %dma_start3A_56 = tpu.memref_squeeze %dma_start3A_55 : memref<1x640x128xf32, #tpu.memory_space<hbm>> -> memref<640x128xf32, #tpu.memory_space<hbm>>
      %dma_start3A_57 = arith.constant 0 : i32
      %dma_start3A_58 = tpu.memref_slice %arg10[%mul3A_51, %dma_start3A_57] : memref<10240x128xf32, #tpu.memory_space<vmem_shared>> -> memref<640x128xf32, #tpu.memory_space<vmem_shared>>
      tpu.enqueue_dma source(%dma_start3A_58 : memref<640x128xf32, #tpu.memory_space<vmem_shared>>) target(%dma_start3A_56 : memref<640x128xf32, #tpu.memory_space<hbm>>) target_semaphore(%run_scoped3A : memref<!tpu.dma_semaphore, #tpu.memory_space<semaphore_mem>>)
      %dma_wait3A_59 = arith.constant 0 : i32
      %dma_wait3A_60 = tpu.memref_slice %arg6[%arg0, %mul3A_53, %dma_wait3A_59] : memref<2x10240x128xf32, #tpu.memory_space<hbm>> -> memref<1x640x128xf32, #tpu.memory_space<hbm>>
      %dma_wait3A_61 = tpu.memref_squeeze %dma_wait3A_60 : memref<1x640x128xf32, #tpu.memory_space<hbm>> -> memref<640x128xf32, #tpu.memory_space<hbm>>
      %dma_wait3A_62 = arith.constant 0 : i32
      %dma_wait3A_63 = tpu.memref_slice %arg10[%mul3A_51, %dma_wait3A_62] : memref<10240x128xf32, #tpu.memory_space<vmem_shared>> -> memref<640x128xf32, #tpu.memory_space<vmem_shared>>
      tpu.wait_dma2 semaphore(%run_scoped3A : memref<!tpu.dma_semaphore, #tpu.memory_space<semaphore_mem>>) src(%dma_wait3A_63 : memref<640x128xf32, #tpu.memory_space<vmem_shared>>) dst(%dma_wait3A_61 : memref<640x128xf32, #tpu.memory_space<hbm>>)
      tpu.yield
    }) : () -> ()
    return
  }
}

module attributes {stable_mosaic.version = 14 : i64} {
  func.func @_projscale_body(%arg0: i32, %arg1: memref<1024x128xf32, #tpu.memory_space<vmem>>, %arg2: memref<128x128xf32, #tpu.memory_space<vmem>>, %arg3: memref<1x128xf32, #tpu.memory_space<vmem>>, %arg4: memref<2x1024x128xf32, #tpu.memory_space<vmem>>, %arg5: memref<1024x128xf32, #tpu.memory_space<vmem>>, %arg6: memref<1024x8xf32, #tpu.memory_space<vmem>>) attributes {dimension_semantics = [#tpu.dimension_semantics<arbitrary>], iteration_bounds = array<i64: 10>, scalar_prefetch = 0 : i64, scratch_operands = 0 : i64, tpu.core_type = #tpu.core_type<tc>, window_params = [{transform_indices = @transform_0, window_bounds = array<i64: 1024, 128>}, {pipeline_mode = #tpu.pipeline_mode<synchronous>, transform_indices = @transform_1, window_bounds = array<i64: 128, 128>}, {pipeline_mode = #tpu.pipeline_mode<synchronous>, transform_indices = @transform_2, window_bounds = array<i64: 1, 128>}, {transform_indices = @transform_3, window_bounds = array<i64: 2, 1024, 128>}, {transform_indices = @transform_4, window_bounds = array<i64: 1024, 128>}, {transform_indices = @transform_5, window_bounds = array<i64: 1024, 8>}]} {
    %get3A = arith.constant 0 : index
    %get3A_0 = arith.constant 0 : index
    %get3A_1 = vector.load %arg1[%get3A, %get3A_0] : memref<1024x128xf32, #tpu.memory_space<vmem>>, vector<1024x128xf32>
    %get3A_2 = arith.constant 0 : index
    %get3A_3 = arith.constant 0 : index
    %get3A_4 = vector.load %arg2[%get3A_2, %get3A_3] : memref<128x128xf32, #tpu.memory_space<vmem>>, vector<128x128xf32>
    %dot_general3A = arith.constant dense<0.000000e+00> : vector<1024x128xf32>
    %dot_general3A_5 = tpu.matmul %get3A_1, %get3A_4, %dot_general3A {dimension_numbers = #tpu.dot_dimension_numbers<[1], [1], [0], [0], [0, 0, 1, 0], [], []>, transpose_lhs_hint = false} : vector<1024x128xf32>, vector<128x128xf32>, vector<1024x128xf32> -> vector<1024x128xf32>
    %get3A_6 = arith.constant 0 : index
    %get3A_7 = arith.constant 0 : index
    %get3A_8 = vector.load %arg3[%get3A_6, %get3A_7] : memref<1x128xf32, #tpu.memory_space<vmem>>, vector<1x128xf32>
    %add3A = vector.broadcast %get3A_8 : vector<1x128xf32> to vector<1024x128xf32>
    %add3A_9 = arith.addf %dot_general3A_5, %add3A : vector<1024x128xf32>
    %get3A_10 = arith.constant 0 : index
    %get3A_11 = arith.constant 0 : index
    %get3A_12 = arith.constant 0 : index
    %get3A_13 = vector.load %arg4[%get3A_10, %get3A_11, %get3A_12] : memref<2x1024x128xf32, #tpu.memory_space<vmem>>, vector<1x1024x1xf32>
    %get3A_14 = vector.shape_cast %get3A_13 : vector<1x1024x1xf32> to vector<1024x1xf32>
    %add3A_15 = arith.constant 1.000000e+00 : f32
    %add3A_16 = vector.broadcast %add3A_15 : f32 to vector<1024x1xf32>
    %add3A_17 = arith.addf %add3A_16, %get3A_14 : vector<1024x1xf32>
    %get3A_18 = arith.constant 1 : index
    %get3A_19 = arith.constant 0 : index
    %get3A_20 = arith.constant 0 : index
    %get3A_21 = vector.load %arg4[%get3A_18, %get3A_19, %get3A_20] : memref<2x1024x128xf32, #tpu.memory_space<vmem>>, vector<1x1024x1xf32>
    %get3A_22 = vector.shape_cast %get3A_21 : vector<1x1024x1xf32> to vector<1024x1xf32>
    %add3A_23 = arith.addf %add3A_17, %get3A_22 : vector<1024x1xf32>
    %rsqrt3A = math.rsqrt %add3A_23 : vector<1024x1xf32>
    %broadcast_in_dim3A = vector.shape_cast %rsqrt3A : vector<1024x1xf32> to vector<1024x1xf32>
    %broadcast_in_dim3A_24 = vector.broadcast %broadcast_in_dim3A : vector<1024x1xf32> to vector<1024x8xf32>
    %swap3A = arith.constant 0 : index
    %swap3A_25 = arith.constant 0 : index
    %swap3A_26 = vector.load %arg6[%swap3A, %swap3A_25] : memref<1024x8xf32, #tpu.memory_space<vmem>>, vector<1024x8xf32>
    tpu.vector_store %arg6[%swap3A, %swap3A_25], %broadcast_in_dim3A_24 {strides = array<i32>} : memref<1024x8xf32, #tpu.memory_space<vmem>>, vector<1024x8xf32>,
    %mul3A = vector.broadcast %rsqrt3A : vector<1024x1xf32> to vector<1024x128xf32>
    %mul3A_27 = arith.mulf %add3A_9, %mul3A : vector<1024x128xf32>
    %swap3A_28 = arith.constant 0 : index
    %swap3A_29 = arith.constant 0 : index
    %swap3A_30 = vector.load %arg5[%swap3A_28, %swap3A_29] : memref<1024x128xf32, #tpu.memory_space<vmem>>, vector<1024x128xf32>
    tpu.vector_store %arg5[%swap3A_28, %swap3A_29], %mul3A_27 {strides = array<i32>} : memref<1024x128xf32, #tpu.memory_space<vmem>>, vector<1024x128xf32>,
    return
  }
  func.func @transform_0(%arg0: i32) -> (i32, i32) {
    %c0_i32 = arith.constant 0 : i32
    %c0_i32_0 = arith.constant 0 : i32
    return %arg0, %c0_i32 : i32, i32
  }
  func.func @transform_1(%arg0: i32) -> (i32, i32) {
    %c0_i32 = arith.constant 0 : i32
    %c0_i32_0 = arith.constant 0 : i32
    %c0_i32_1 = arith.constant 0 : i32
    return %c0_i32, %c0_i32_0 : i32, i32
  }
  func.func @transform_2(%arg0: i32) -> (i32, i32) {
    %c0_i32 = arith.constant 0 : i32
    %c0_i32_0 = arith.constant 0 : i32
    %c0_i32_1 = arith.constant 0 : i32
    return %c0_i32, %c0_i32_0 : i32, i32
  }
  func.func @transform_3(%arg0: i32) -> (i32, i32, i32) {
    %c0_i32 = arith.constant 0 : i32
    %c0_i32_0 = arith.constant 0 : i32
    %c0_i32_1 = arith.constant 0 : i32
    return %c0_i32, %arg0, %c0_i32_0 : i32, i32, i32
  }
  func.func @transform_4(%arg0: i32) -> (i32, i32) {
    %c0_i32 = arith.constant 0 : i32
    %c0_i32_0 = arith.constant 0 : i32
    return %arg0, %c0_i32 : i32, i32
  }
  func.func @transform_5(%arg0: i32) -> (i32, i32) {
    %c0_i32 = arith.constant 0 : i32
    %c0_i32_0 = arith.constant 0 : i32
    return %arg0, %c0_i32 : i32, i32
  }
}

module attributes {stable_mosaic.version = 14 : i64} {
  func.func @_merge_body(%arg0: i32, %arg1: memref<2x1024x128xf32, #tpu.memory_space<vmem>>, %arg2: memref<1024x128xf32, #tpu.memory_space<vmem>>, %arg3: memref<1024x8xf32, #tpu.memory_space<vmem>>, %arg4: memref<1024x128xf32, #tpu.memory_space<vmem>>) attributes {dimension_semantics = [#tpu.dimension_semantics<arbitrary>], iteration_bounds = array<i64: 10>, scalar_prefetch = 0 : i64, scratch_operands = 0 : i64, tpu.core_type = #tpu.core_type<tc>, window_params = [{transform_indices = @transform_0, window_bounds = array<i64: 2, 1024, 128>}, {transform_indices = @transform_1, window_bounds = array<i64: 1024, 128>}, {transform_indices = @transform_2, window_bounds = array<i64: 1024, 8>}, {transform_indices = @transform_3, window_bounds = array<i64: 1024, 128>}]} {
    %get3A = arith.constant 0 : index
    %get3A_0 = arith.constant 0 : index
    %get3A_1 = vector.load %arg3[%get3A, %get3A_0] : memref<1024x8xf32, #tpu.memory_space<vmem>>, vector<1024x1xf32>
    %mul3A = arith.mulf %get3A_1, %get3A_1 : vector<1024x1xf32>
    %get3A_2 = arith.constant 0 : index
    %get3A_3 = arith.constant 0 : index
    %get3A_4 = arith.constant 0 : index
    %get3A_5 = vector.load %arg1[%get3A_2, %get3A_3, %get3A_4] : memref<2x1024x128xf32, #tpu.memory_space<vmem>>, vector<1x1024x128xf32>
    %get3A_6 = vector.shape_cast %get3A_5 : vector<1x1024x128xf32> to vector<1024x128xf32>
    %get3A_7 = arith.constant 1 : index
    %get3A_8 = arith.constant 0 : index
    %get3A_9 = arith.constant 0 : index
    %get3A_10 = vector.load %arg1[%get3A_7, %get3A_8, %get3A_9] : memref<2x1024x128xf32, #tpu.memory_space<vmem>>, vector<1x1024x128xf32>
    %get3A_11 = vector.shape_cast %get3A_10 : vector<1x1024x128xf32> to vector<1024x128xf32>
    %add3A = arith.addf %get3A_6, %get3A_11 : vector<1024x128xf32>
    %get3A_12 = arith.constant 0 : index
    %get3A_13 = arith.constant 0 : index
    %get3A_14 = vector.load %arg2[%get3A_12, %get3A_13] : memref<1024x128xf32, #tpu.memory_space<vmem>>, vector<1024x128xf32>
    %add3A_15 = arith.addf %add3A, %get3A_14 : vector<1024x128xf32>
    %mul3A_16 = vector.broadcast %mul3A : vector<1024x1xf32> to vector<1024x128xf32>
    %mul3A_17 = arith.mulf %add3A_15, %mul3A_16 : vector<1024x128xf32>
    %swap3A = arith.constant 0 : index
    %swap3A_18 = arith.constant 0 : index
    %swap3A_19 = vector.load %arg4[%swap3A, %swap3A_18] : memref<1024x128xf32, #tpu.memory_space<vmem>>, vector<1024x128xf32>
    tpu.vector_store %arg4[%swap3A, %swap3A_18], %mul3A_17 {strides = array<i32>} : memref<1024x128xf32, #tpu.memory_space<vmem>>, vector<1024x128xf32>,
    return
  }
  func.func @transform_0(%arg0: i32) -> (i32, i32, i32) {
    %c0_i32 = arith.constant 0 : i32
    %c0_i32_0 = arith.constant 0 : i32
    %c0_i32_1 = arith.constant 0 : i32
    return %c0_i32, %arg0, %c0_i32_0 : i32, i32, i32
  }
  func.func @transform_1(%arg0: i32) -> (i32, i32) {
    %c0_i32 = arith.constant 0 : i32
    %c0_i32_0 = arith.constant 0 : i32
    return %arg0, %c0_i32 : i32, i32
  }
  func.func @transform_2(%arg0: i32) -> (i32, i32) {
    %c0_i32 = arith.constant 0 : i32
    %c0_i32_0 = arith.constant 0 : i32
    return %arg0, %c0_i32 : i32, i32
  }
  func.func @transform_3(%arg0: i32) -> (i32, i32) {
    %c0_i32 = arith.constant 0 : i32
    %c0_i32_0 = arith.constant 0 : i32
    return %arg0, %c0_i32 : i32, i32
  }
}

module attributes {stable_mosaic.version = 14 : i64} {
  func.func @_merge_body(%arg0: i32, %arg1: memref<2x1024x128xf32, #tpu.memory_space<vmem>>, %arg2: memref<1024x128xf32, #tpu.memory_space<vmem>>, %arg3: memref<1024x8xf32, #tpu.memory_space<vmem>>, %arg4: memref<1024x128xf32, #tpu.memory_space<vmem>>) attributes {dimension_semantics = [#tpu.dimension_semantics<arbitrary>], iteration_bounds = array<i64: 10>, scalar_prefetch = 0 : i64, scratch_operands = 0 : i64, tpu.core_type = #tpu.core_type<tc>, window_params = [{transform_indices = @transform_0, window_bounds = array<i64: 2, 1024, 128>}, {transform_indices = @transform_1, window_bounds = array<i64: 1024, 128>}, {transform_indices = @transform_2, window_bounds = array<i64: 1024, 8>}, {transform_indices = @transform_3, window_bounds = array<i64: 1024, 128>}]} {
    %get3A = arith.constant 0 : index
    %get3A_0 = arith.constant 0 : index
    %get3A_1 = vector.load %arg3[%get3A, %get3A_0] : memref<1024x8xf32, #tpu.memory_space<vmem>>, vector<1024x1xf32>
    %get3A_2 = arith.constant 0 : index
    %get3A_3 = arith.constant 0 : index
    %get3A_4 = arith.constant 0 : index
    %get3A_5 = vector.load %arg1[%get3A_2, %get3A_3, %get3A_4] : memref<2x1024x128xf32, #tpu.memory_space<vmem>>, vector<1x1024x128xf32>
    %get3A_6 = vector.shape_cast %get3A_5 : vector<1x1024x128xf32> to vector<1024x128xf32>
    %get3A_7 = arith.constant 1 : index
    %get3A_8 = arith.constant 0 : index
    %get3A_9 = arith.constant 0 : index
    %get3A_10 = vector.load %arg1[%get3A_7, %get3A_8, %get3A_9] : memref<2x1024x128xf32, #tpu.memory_space<vmem>>, vector<1x1024x128xf32>
    %get3A_11 = vector.shape_cast %get3A_10 : vector<1x1024x128xf32> to vector<1024x128xf32>
    %add3A = arith.addf %get3A_6, %get3A_11 : vector<1024x128xf32>
    %get3A_12 = arith.constant 0 : index
    %get3A_13 = arith.constant 0 : index
    %get3A_14 = vector.load %arg2[%get3A_12, %get3A_13] : memref<1024x128xf32, #tpu.memory_space<vmem>>, vector<1024x128xf32>
    %add3A_15 = arith.addf %add3A, %get3A_14 : vector<1024x128xf32>
    %mul3A = vector.broadcast %get3A_1 : vector<1024x1xf32> to vector<1024x128xf32>
    %mul3A_16 = arith.mulf %add3A_15, %mul3A : vector<1024x128xf32>
    %swap3A = arith.constant 0 : index
    %swap3A_17 = arith.constant 0 : index
    %swap3A_18 = vector.load %arg4[%swap3A, %swap3A_17] : memref<1024x128xf32, #tpu.memory_space<vmem>>, vector<1024x128xf32>
    tpu.vector_store %arg4[%swap3A, %swap3A_17], %mul3A_16 {strides = array<i32>} : memref<1024x128xf32, #tpu.memory_space<vmem>>, vector<1024x128xf32>,
    return
  }
  func.func @transform_0(%arg0: i32) -> (i32, i32, i32) {
    %c0_i32 = arith.constant 0 : i32
    %c0_i32_0 = arith.constant 0 : i32
    %c0_i32_1 = arith.constant 0 : i32
    return %c0_i32, %arg0, %c0_i32_0 : i32, i32, i32
  }
  func.func @transform_1(%arg0: i32) -> (i32, i32) {
    %c0_i32 = arith.constant 0 : i32
    %c0_i32_0 = arith.constant 0 : i32
    return %arg0, %c0_i32 : i32, i32
  }
  func.func @transform_2(%arg0: i32) -> (i32, i32) {
    %c0_i32 = arith.constant 0 : i32
    %c0_i32_0 = arith.constant 0 : i32
    return %arg0, %c0_i32 : i32, i32
  }
  func.func @transform_3(%arg0: i32) -> (i32, i32) {
    %c0_i32 = arith.constant 0 : i32
    %c0_i32_0 = arith.constant 0 : i32
    return %arg0, %c0_i32 : i32, i32
  }
}

</mosaic_0001>

<sc_bundles>
// kernel: kernel.11.cloned.1.call-start
scs
__scs_entry_jumppad:
0x0: {  	(pc) =	sbr.rel $0x88, $3  }
0x1: {  	(tag) =	ssettag $0x0;
	lr =	simm.s32 $0x1  }
0x2: {  	[smem:$0x3F9D] =	sst lr;
	_ =	strace $0xD0000000  }
0x3: {  	_ = 	snop  }
0x4: {  	_ = 	snop  }
0x5: {  	_ = 	snop  }
0x6: {  	_ = 	snop  }
0x7: {  	_ = 	snop  }
__scs_overlays_trampoline_lowered:
0x8: {  	[smem:$0x3FAC] =	sst s0  }
0x9: {  	[smem:$0x3FAD] =	sst s1  }
0xa: {  	[smem:$0x3FAE] =	sst s2  }
0xb: {  	[smem:$0x3FAF] =	sst s3  }
0xc: {  	[smem:$0x3FB0] =	sst s4  }
0xd: {  	[smem:$0x3FB1] =	sst s5  }
0xe: {  	[smem:$0x3FB2] =	sst s6  }
0xf: {  	[smem:$0x3FB3] =	sst s7  }
0x10: {  	[smem:$0x3FB4] =	sst s8  }
0x11: {  	[smem:$0x3FB5] =	sst s9;
	s0 =	simm.s32 @!p0 $0x0  }
0x12: {  	s1 =	sld [smem:$0x3F9B];
	s0 =	simm.s32 @p0 $0x1  }
0x13: {  	[smem:$0x3FB6] =	sst s0;
	s0 =	simm.s32 @!p1 $0x0  }
0x14: {  	s2 =	sld [smem:$0x3F9A];
	s0 =	simm.s32 @p1 $0x1  }
0x15: {  	[smem:$0x3FB7] =	sst s0;
	s0 =	simm.s32 @!p2 $0x0  }
0x16: {  	s3 =	sld [smem:$0x3FDB];
	s0 =	simm.s32 @p2 $0x1  }
0x17: {  	s4 =	simm.s32 $0x1BF5;
	[smem:$0x3FB9] =	sst s0  }
0x18: {  	s0 =	sld [smem:$0x3F9C];
	_ =	swait.ge [sflag:s4], $0x0  }
0x19: {  	s7 =	sld [smem:$0x3F9D]  }
0x1a: {  	s8 =	sadd.s32 $0xFFFFE003, lr  }
0x1b: {  	s9 =	sadd.s32 $0xFFFFFEF7, lr;
	s5 =	simm.s32 $0xFFFFFFFF;
	p2 =	slt.u32 s8, $0xFFFFF086  }
0x1c: {  	p1 =	slt.u32 s9, $0xF7A;
	s5 =	simm.s32 @!p2 $0x0  }
0x1d: {  	s5 =	simm.s32 @p1 $0x1;
	p0 =	seq.s32 s7, s2  }
0x1e: {  	s7 =	smul.u32 @!p0 $0xF7A, s2;
	p2 =	seq.s32 @!p0 s5, $0x0  }
0x1f: {  	s9 =	smul.u32 $0xF7A, s1;
	s8 =	simm.s32 @!p0 $0x1BF5;
	p2 =	por !p2, p0  }
0x20: {  	[sflag:s8] =	ssyncset.s32 @!p0 $0xFFFFF086;
	s6 =	sadd.s32 @!p0 s3, s7;
	s7 =	simm.s32 @!p0 $0x108  }
0x21: {  	s3 =	sadd.s32 s3, s9;
	s6 =	sadd.s32 @!p0 $0x88, s6;
	s7 =	simm.s32 @p2 $0x1082  }
0x22: {  	[simem:s7], [sflag:s8] =	dma.local @!p0 [hbm:s6], $0xF7A  }
0x23: {  	s9 =	sor.u32 $0xD0000000, s2;
	s6 =	simm.s32 $0x108;
	_ =	swait.ge @!p0 [sflag:s8], $0x0  }
0x24: {  	s3 =	sadd.s32 $0x88, s3;
	s6 =	simm.s32 @!p1 $0x1082;
	[sflag:s4] =	ssyncset.s32 $0xFFFFF086  }
0x25: {  	[simem:s6], [sflag:s4] =	dma.local [hbm:s3], $0xF7A  }
0x26: {  	[smem:$0x3F9D] =	sst s1;
	(tag) =	ssettag s2;
	_ =	strace s9  }
0x27: {  	s1 =	sld [smem:$0x3FAD]  }
0x28: {  	s2 =	sld [smem:$0x3FAE]  }
0x29: {  	s4 =	sld [smem:$0x3FB0]  }
0x2a: {  	p0 =	seq.s32 s5, $0x0;
	s5 =	sld [smem:$0x3FB1]  }
0x2b: {  	s6 =	sld [smem:$0x3FB2]  }
0x2c: {  	s7 =	sld [smem:$0x3FB3]  }
0x2d: {  	s3 =	simm.s32 $0x108;
	s8 =	sld [smem:$0x3FB4]  }
0x2e: {  	s3 =	simm.s32 @!p0 $0x1082;
	s9 =	sld [smem:$0x3FB5]  }
0x2f: {  	lr =	sadd.s32 s0, s3;
	s0 =	sld [smem:$0x3FAC]  }
0x30: {  	s3 =	sld [smem:$0x3FAF]  }
0x31: {  	[smem:$0x3FB8] =	sst s10  }
0x32: {  	s10 =	sld [smem:$0x3FB6];
	_ =	sdelay $0x3  }
0x33: {  	p0 =	seq.s32 s10, $0x1;
	s10 =	sld [smem:$0x3FB8];
	_ =	sdelay $0x3  }
0x34: {  	[smem:$0x3FB8] =	sst s10  }
0x35: {  	s10 =	sld [smem:$0x3FB7];
	_ =	sdelay $0x3  }
0x36: {  	p1 =	seq.s32 s10, $0x1;
	s10 =	sld [smem:$0x3FB8];
	_ =	sdelay $0x3  }
0x37: {  	[smem:$0x3FB8] =	sst s10  }
0x38: {  	s10 =	sld [smem:$0x3FB9]  }
0x39: {  	_ = 	snop;
	(pc) =	sbr.ind lr, $3  }
0x3a: {  	_ = 	snop  }
0x3b: {  	_ = 	snop  }
0x3c: {  	p2 =	seq.s32 s10, $0x1;
	s10 =	sld [smem:$0x3FB8]  }
0x3d: {  	_ =	shalt  }
0x3e: {  	_ =	shalt  }
0x3f: {  	_ =	shalt  }
0x40: {  	_ =	shalt  }
0x41: {  	_ =	shalt  }
0x42: {  	_ =	shalt  }
0x43: {  	_ =	shalt  }
0x44: {  	_ =	shalt  }
0x45: {  	_ =	shalt  }
0x46: {  	_ =	shalt  }
0x47: {  	_ =	shalt  }
0x48: {  	_ =	shalt  }
0x49: {  	_ =	shalt  }
0x4a: {  	_ =	shalt  }
0x4b: {  	_ =	shalt  }
0x4c: {  	_ =	shalt  }
0x4d: {  	_ =	shalt  }
0x4e: {  	_ =	shalt  }
0x4f: {  	_ =	shalt  }
0x50: {  	_ =	shalt  }
0x51: {  	_ =	shalt  }
0x52: {  	_ =	shalt  }
0x53: {  	_ =	shalt  }
0x54: {  	_ =	shalt  }
0x55: {  	_ =	shalt  }
0x56: {  	_ =	shalt  }
0x57: {  	_ =	shalt  }
0x58: {  	_ =	shalt  }
0x59: {  	_ =	shalt  }
0x5a: {  	_ =	shalt  }
0x5b: {  	_ =	shalt  }
0x5c: {  	_ =	shalt  }
0x5d: {  	_ =	shalt  }
0x5e: {  	_ =	shalt  }
0x5f: {  	_ =	shalt  }
0x60: {  	_ =	shalt  }
0x61: {  	_ =	shalt  }
0x62: {  	_ =	shalt  }
0x63: {  	_ =	shalt  }
0x64: {  	_ =	shalt  }
0x65: {  	_ =	shalt  }
0x66: {  	_ =	shalt  }
0x67: {  	_ =	shalt  }
0x68: {  	_ =	shalt  }
0x69: {  	_ =	shalt  }
0x6a: {  	_ =	shalt  }
0x6b: {  	_ =	shalt  }
0x6c: {  	_ =	shalt  }
0x6d: {  	_ =	shalt  }
0x6e: {  	_ =	shalt  }
0x6f: {  	_ =	shalt  }
0x70: {  	_ =	shalt  }
0x71: {  	_ =	shalt  }
0x72: {  	_ =	shalt  }
0x73: {  	_ =	shalt  }
0x74: {  	_ =	shalt  }
0x75: {  	_ =	shalt  }
0x76: {  	_ =	shalt  }
0x77: {  	_ =	shalt  }
0x78: {  	_ =	shalt  }
0x79: {  	_ =	shalt  }
0x7a: {  	_ =	shalt  }
0x7b: {  	_ =	shalt  }
0x7c: {  	_ =	shalt  }
0x7d: {  	_ =	shalt  }
0x7e: {  	_ =	shalt  }
0x7f: {  	_ =	shalt  }
0x80: {  	_ =	shalt  }
0x81: {  	_ =	shalt  }
0x82: {  	_ =	shalt  }
0x83: {  	_ =	shalt  }
0x84: {  	_ =	shalt  }
0x85: {  	_ =	shalt  }
0x86: {  	_ =	shalt  }
0x87: {  	_ =	shalt  }
.Lfunc_end0:
.L_simem_size_0:
called_computation.1_lowered:
.L_overlay_start_0:
0x88: {  	s2 =	sld [smem:$0x3FD9]  }
0x89: {  	s3 =	sld [smem:$0x3FFE];
	_ =	sdelay $0x1  }
0x8a: {  	s1 =	srdreg.scid  }
0x8b: {  	s0 =	sand.u32 $0x1, s1  }
0x8c: {  	s17 =	sshll.u32 s0, $0xA;
	s2 =	sadd.s32 s3, s2  }
0x8d: {  	s2 =	sadd.s32 s2, s17  }
0x8e: {  	[smem:$0x3FC4] =	sst s2  }
0x8f: {  	_ = 	snop  }
0x90: {  	s2 =	sld [smem:$0x3FD0];
	(tm) =	ssettm $0x1  }
0x91: {  	s18 =	sld [smem:$0x3FFB];
	_ =	sdelay $0x3  }
0x92: {  	_ =	strace s18  }
0x93: {  	s3 =	sld [smem:$0x3FFC];
	_ =	sdelay $0x3  }
0x94: {  	_ =	strace s3  }
0x95: {  	s3 =	sld [smem:$0x3FFD];
	_ =	sdelay $0x3  }
0x96: {  	_ =	strace s3  }
0x97: {  	_ =	strace $0x8FFFFFFF  }
0x98: {  	s19 =	sld [smem:$0x3FDB];
	_ =	sdelay $0x1  }
0x99: {  	s4 =	simm.s32 $_scs_section_size  }
0x9a: {  	s5 =	simm.s32 $_size__tile_overlayer_lowered;
	s6 =	simm.s32 $_tile_overlayer_lowered  }
0x9b: {  	s22 =	simm.s32 $0x1BFF;
	s21 =	sshll.u32 s6, $0x1;
	s3 =	sadd.s32 s4, s19  }
0x9c: {  	s7 =	simm.s32 $0x0;
	s20 =	sshll.u32 s5, $0x1;
	s5 =	sadd.s32 s21, s3  }
0x9d: {  	[timem:s7], [sflag:s22] =	dma.local [hbm:s5], s20  }
0x9e: {  	_ =	swait.ge [sflag:s22], s20  }
0x9f: {  	s4 =	ssub.s32 $0x0, s20;
	[sflag:s22] =	ssyncset.done $0x0  }
0xa0: {  	[sflag:s22] =	ssyncadd.s32 s4;
	_ =	sdelay $0x1  }
0xa1: {  	s23 =	simm.s32 $0x1B8B  }
0xa2: {  	_ =	swait.ge [sflag:s23], $0x1  }
0xa3: {  	[sflag:s23] =	ssyncset.done $0x0  }
0xa4: {  	s25 =	simm.s32 $0x1B8E;
	s24 =	sld [smem:$0x3FFE];
	[sflag:s23] =	ssyncadd.s32 $0xFFFFFFFF  }
0xa5: {  	s26 =	simm.s32 $execute0_lowered;
	[smem:$0x3FD2] =	sst s25  }
0xa6: {  	s5 =	sshll.u32 s26, $0x1;
	_ =	strace $0x80000049;
	[dreg:$0x1] =	wrdreg $0xFFFFFFFF  }
0xa7: {  	s28 =	simm.s32 $_size_execute0_lowered;
	s3 =	sadd.s32 s3, s5;
	[dreg:$0x0] =	wrdreg $0x0  }
0xa8: {  	s5 =	sshll.u32 s28, $0x1;
	[dreg:$0x2] =	wrdreg s3  }
0xa9: {  	[dreg:$0x3] =	wrdreg s5  }
0xaa: {  	[dreg:$0x4] =	wrdreg $0xC0  }
0xab: {  	_ =	task [dreg:s7], $0x5FFFF  }
0xac: {  	[dreg:$0x1] =	wrdreg $0xFFFFFFFF  }
0xad: {  	[dreg:$0x0] =	wrdreg $0x60  }
0xae: {  	[dreg:$0x2] =	wrdreg s24  }
0xaf: {  	[dreg:$0x3] =	wrdreg s2  }
0xb0: {  	[dreg:$0x4] =	wrdreg $0xB7800  }
0xb1: {  	[dreg:$0x5] =	wrdreg $0x9  }
0xb2: {  	_ =	task.clear_ibuf [dreg:s7], $0x6FFFF;
	_ =	strace $0x90000049  }
0xb3: {  	s29 =	simm.s32 $0x9;
	_ =	strace $0x8000004B  }
0xb4: {  	_ =	swait.ge [sflag:s29], $0x1  }
0xb5: {  	[sflag:s29] =	ssyncadd.s32 $0xFFFFFFFF  }
0xb6: {  	_ =	strace $0x9000004B  }
0xb7: {  	_ =	sfence  }
0xb8: {  	s30 =	sld [smem:$0x0];
	_ =	sdelay $0x2  }
0xb9: {  	s31 =	sshll.u32 s1, $0xD;
	s1 =	sshrl.u32 s1, $0x2  }
0xba: {  	s3 =	sand.u32 $0x4000, s31;
	s1 =	sadd.s32 s1, s30  }
0xbb: {  	s0 =	sor.u32 s3, s0;
	s1 =	sshll.u32 s1, $0x11  }
0xbc: {  	s0 =	sor.u32 s1, s0  }
0xbd: {  	s0 =	sadd.s32 $0x8F2B, s0  }
0xbe: {  	[sflag:s0] =	ssyncadd.remote.s32 $0x1  }
0xbf: {  	_ =	sfence.sel $0xFFFF  }
0xc0: {  	[dreg:$0x0] =	wrdreg $0xFFFFFFFF;
	(pc) =	sbr.abs _section_cstart, $3  }
0xc1: {  	[dreg:$0x1] =	wrdreg $0xFFFFFFFF  }
0xc2: {  	_ =	task.clear_ibuf [dreg:s7], $0x2FFFF;
	_ =	strace $0x9FFFFFFF  }
0xc3: {  	(tm) =	ssettm $0x7FFFFFFF  }
tec
execute0_lowered:
.L_overlay_start_1:
0x0: {  	(tag) =	ssettag $0x1  }
0x1: {  	s6 =	rddreg [dreg:$0x0]  }
0x2: {  	s7 =	rddreg [dreg:$0x1]  }
0x3: {  	s0 =	srdreg.scid;
	s2 =	rddreg [dreg:$0x2]  }
0x4: {  	s15 =	simm.s32 $0x6780;
	s16 =	simm.s32 $0x50;
	s17 =	simm.s32 $0x3  }
0x5: {  	s18 =	simm.s32 $0x4;
	s19 =	simm.s32 $0x0;
	s5 =	sand.u32 $0x1, s0  }
0x6: {  	s0 =	stileid.u32;
	s1 =	sshll.u32 s5, $0x4;
	s10 =	smul.u32 $0x140000, s5  }
0x7: {  	s9 =	sshll.u32 s0, $0x7;
	s11 =	smul.u32 $0x14000, s0;
	s29 =	ssub.s32 $0x2, s5  }
0x8: {  	s13 =	smul.u32 $0x50000, s0;
	s5 =	sadd.s32 $0x1A00, s6;
	s31 =	sshll.u32 s0, $0x6  }
0x9: {  	s8 =	sor.u32 s0, s1;
	s1 =	rddreg [dreg:$0x3];
	s9 =	sand.u32 $0x380, s9  }
0xa: {  	s12 =	sshrl.u32 s29, $0x1;
	s3 =	sshrl.u32 s8, $0x3;
	s10 =	sadd.s32 s11, s10  }
0xb: {  	s11 =	ssub.s32 s29, s12;
	s8 =	sshll.u32 s8, $0xB;
	s30 =	sshrl.u32 s13, $0x2  }
0xc: {  	s12 =	simm.s32 $0x5;
	s13 =	sor.u32 $0x1C05, s31;
	s4 =	smul.u32 $0x13C00, s3  }
0xd: {  	s3 =	simm.s32 $0x0;
	s10 =	sshrl.u32 s10, $0x3;
	s7 =	sadd.s32 s7, s8  }
.Ltmp0:
0xe: {  	s14 =	sadd.s32 s30, s2;
	[smem:$0x7FF] =	sst s3;
	(pc) =	sbr.rel .LBB2_1-.Ltmp0, $4  }
0xf: {  	s10 =	sadd.s32 s10, s6;
	s14 =	sshrl.u32 s14, $0x3;
	s9 =	sor.u32 s9, s4  }
0x10: {  	_ =	strace $0x8000004A;
	s4 =	sadd.s32 $0x4200, s6;
	s9 =	sshrl.u32 s9, $0x3  }
0x11: {  	s8 =	sadd.s32 $0x5E600, s10;
	s10 =	simm.s32 $0x80;
	s9 =	sadd.s32 s9, s6  }
0x12: {  	s6 =	sadd.s32 $0x54800, s9;
	s9 =	smax.u32 s11, $0x1;
	s11 =	simm.s32 $0x400  }
.LBB2_7:
0x13: {  	_ =	swait.ge [sflag:s17], $0x2800  }
0x14: {  	[sflag:s17] =	ssyncset.done $0x0  }
0x15: {  	[sflag:s17] =	ssyncadd.s32 $0xFFFFD800  }
0x16: {  	_ =	swait.ge [sflag:s18], $0x2800  }
0x17: {  	s19 =	sadd.s32 $0x1, s19;
	[sflag:s18] =	ssyncset.done $0x0  }
0x18: {  	p0 =	sne.s32 s19, s9;
	[sflag:s18] =	ssyncadd.s32 $0xFFFFD800  }
.Ltmp1:
0x19: {  	[bflag:$0x0] =	sbarrier.arrive $0xFFFF;
	(pc) =	sbr.rel @!p0 .LBB2_8-.Ltmp1, $4  }
0x1a: {  	[hbm:s8], [sflag:s13] =	dma.local [spmem:s14], $0x2800  }
0x1b: {  	_ =	swait.ge [sflag:s12], $0x2800  }
0x1c: {  	[sflag:s12] =	ssyncset.done $0x0  }
0x1d: {  	[sflag:s12] =	ssyncadd.s32 $0xFFFFD800  }
.LBB2_1:
0x1e: {  	[tilespmem:s3], [sflag:$0x5] =	stream.strided.gather [hbm4b:s6+s10], $0x2780, s11, s10, $0x38;
	[tilespmem:$0x1F780] =	vst v63  }
0x1f: {  	_ =	swait.ge [sflag:s12], $0x2780  }
0x20: {  	[sflag:s12] =	ssyncset.done $0x0  }
0x21: {  	s20 =	simm.s32 $0x2780;
	[sflag:s12] =	ssyncadd.s32 $0xFFFFD880  }
0x22: {  	[tilespmem:s20], [sflag:$0x5] =	stream.linear.gather [hbm4b:s7+s3], $0x3E80, $0x38;
	[tilespmem:$0x1F780] =	vst v63  }
0x23: {  	_ =	swait.ge [sflag:s12], $0x3E80  }
0x24: {  	[sflag:s12] =	ssyncset.done $0x0  }
0x25: {  	[sflag:s12] =	ssyncadd.s32 $0xFFFFC180  }
0x26: {  	[spmem:s14], [sflag:s13] =	dma.local [hbm:s5], $0x2800  }
.Ltmp2:
0x27: {  	_ =	swait.ge [sflag:s12], $0x2800;
	(pc) =	sbr.rel .LBB2_2-.Ltmp2, $4  }
0x28: {  	[sflag:s12] =	ssyncset.done $0x0  }
0x29: {  	[sflag:s12] =	ssyncadd.s32 $0xFFFFD800  }
0x2a: {  	s21 =	simm.s32 $0x50;
	s22 =	simm.s32 $0x0;
	[bflag:$0x0] =	sbarrier.arrive $0xFFFF  }
0x2b: {  	[tilespmem:s15], [sflag:$0x1] =	stream.indirect.gather [hbm4b:s4+s16], $0x80, s3, s16, $0xb8;
	[tilespmem:$0x1F780] =	vst v63  }
.LBB2_5:
0x2c: {  	s25 =	smul.u32 $0xA000, s24;
	_ =	sdelay $0x1  }
0x2d: {  	s25 =	sshrl.u32 s25, $0x2  }
0x2e: {  	s31 =	sadd.s32 $0x1, s24;
	s25 =	sadd.s32 $0x6780, s25  }
0x2f: {  	[tilespmem:s25], [sflag:s31] =	stream.indirect.gather [hbm4b:s4+s16], $0x80, s21, s16, $0xb8;
	[tilespmem:$0x1F780] =	vst v63  }
.LBB2_6:
0x30: {  	s22 =	sadd.s32 $0x1, s22  }
0x31: {  	s24 =	smul.u32 $0xA000, s23;
	s25 =	sadd.s32 $0x1, s23;
	p0 =	sne.s32 s22, $0x7D  }
.Ltmp3:
0x32: {  	_ =	swait.ge [sflag:s25], $0x2800;
	(pc) =	sbr.rel @!p0 .LBB2_7-.Ltmp3, $4  }
0x33: {  	s24 =	sshrl.u32 s24, $0x2;
	[sflag:s25] =	ssyncset.done $0x0  }
0x34: {  	s31 =	sadd.s32 $0x3, s23;
	s24 =	sadd.s32 $0x6780, s24;
	[sflag:s25] =	ssyncadd.s32 $0xFFFFD800  }
0x35: {  	[spmem:s2] =	stream.indirect.scatter.add.f32 [tilespmem:s24], [sflag:s31], $0x80, s20, s16, $0xb8;
	[tilespmem:$0x1F780] =	vst v63  }
0x36: {  	s21 =	sadd.s32 $0x50, s21;
	s20 =	sadd.s32 $0x80, s20  }
.LBB2_2:
0x37: {  	p0 =	seq.s32 s22, $0x0  }
.Ltmp4:
0x38: {  	_ = 	snop;
	(pc) =	sbr.rel @p0 .LBB2_5-.Ltmp4, $3  }
0x39: {  	_ =	sdelay $0x1  }
0x3a: {  	s23 =	sand.u32 $0x1, s22  }
0x3b: {  	s24 =	sxor.u32 $0x1, s23  }
0x3c: {  	p0 =	seq.s32 s22, $0x7C  }
.Ltmp5:
0x3d: {  	_ = 	snop;
	(pc) =	sbr.rel @p0 .LBB2_6-.Ltmp5, $1  }
0x3e: {  	_ =	sdelay $0x3  }
.Ltmp6:
0x3f: {  	(pc) =	sbr.rel .LBB2_5-.Ltmp6, $4  }
0x40: {  	s25 =	sadd.s32 $0x3, s24  }
0x41: {  	_ =	swait.ge [sflag:s25], $0x2800  }
0x42: {  	[sflag:s25] =	ssyncset.done $0x0  }
0x43: {  	[sflag:s25] =	ssyncadd.s32 $0xFFFFD800  }
.LBB2_8:
0x44: {  	_ =	sfence.sel $0x180000  }
0x45: {  	[bflag:$0x0] =	sbarrier.arrive $0xFFFF  }
0x46: {  	p0 =	sne.s32 s0, $0x0;
	_ =	strace $0x9000004A  }
0x47: {  	s0 =	sadd.s32 @!p0 $0x100000, s1;
	[bflag:$0x2] =	sbarrier.arrive $0xFFFF  }
0x48: {  	[sflag:s0] =	ssyncadd.tile.s32 @!p0 $0x1;
	_ =	shalt  }
.Lfunc_end2:
_tile_overlayer_lowered:
.L_overlay_start_2:
0x49: {  	(tag) =	ssettag $0x2  }
0x4a: {  	s0 =	rddreg [dreg:$0x0];
	s2 =	stileid.u32  }
0x4b: {  	s1 =	rddreg [dreg:$0x1];
	p0 =	sne.s32 s2, $0x0  }
0x4c: {  	s3 =	rddreg [dreg:$0x2];
	[bflag:$0x3] =	sbarrier.arrive $0xFFFF;
	s2 =	simm.s32 @!p0 $0x1C05  }
0x4d: {  	[timem:s3], [sflag:s2] =	dma.local @!p0 [hbm:s0], s1  }
0x4e: {  	s0 =	simm.s32 @!p0 $0x5  }
0x4f: {  	_ =	swait.ge @!p0 [sflag:s0], s1  }
0x50: {  	s1 =	ssub.s32 @!p0 $0x0, s1;
	[sflag:s0] =	ssyncset.done @!p0 $0x0  }
0x51: {  	[sflag:s0] =	ssyncadd.s32 @!p0 s1  }
0x52: {  	[bflag:$0x3] =	sbarrier.arrive $0xFFFF  }
0x53: {  	_ =	shalt  }

// kernel: kernel.14.cloned.1.call-start
scs
__scs_entry_jumppad:
0x0: {  	(pc) =	sbr.rel $0x88, $3  }
0x1: {  	(tag) =	ssettag $0x0;
	lr =	simm.s32 $0x1  }
0x2: {  	[smem:$0x3F9D] =	sst lr;
	_ =	strace $0xD0000000  }
0x3: {  	_ = 	snop  }
0x4: {  	_ = 	snop  }
0x5: {  	_ = 	snop  }
0x6: {  	_ = 	snop  }
0x7: {  	_ = 	snop  }
__scs_overlays_trampoline_lowered:
0x8: {  	[smem:$0x3FAC] =	sst s0  }
0x9: {  	[smem:$0x3FAD] =	sst s1  }
0xa: {  	[smem:$0x3FAE] =	sst s2  }
0xb: {  	[smem:$0x3FAF] =	sst s3  }
0xc: {  	[smem:$0x3FB0] =	sst s4  }
0xd: {  	[smem:$0x3FB1] =	sst s5  }
0xe: {  	[smem:$0x3FB2] =	sst s6  }
0xf: {  	[smem:$0x3FB3] =	sst s7  }
0x10: {  	[smem:$0x3FB4] =	sst s8  }
0x11: {  	[smem:$0x3FB5] =	sst s9;
	s0 =	simm.s32 @!p0 $0x0  }
0x12: {  	s1 =	sld [smem:$0x3F9B];
	s0 =	simm.s32 @p0 $0x1  }
0x13: {  	[smem:$0x3FB6] =	sst s0;
	s0 =	simm.s32 @!p1 $0x0  }
0x14: {  	s2 =	sld [smem:$0x3F9A];
	s0 =	simm.s32 @p1 $0x1  }
0x15: {  	[smem:$0x3FB7] =	sst s0;
	s0 =	simm.s32 @!p2 $0x0  }
0x16: {  	s3 =	sld [smem:$0x3FDB];
	s0 =	simm.s32 @p2 $0x1  }
0x17: {  	s4 =	simm.s32 $0x1BF5;
	[smem:$0x3FB9] =	sst s0  }
0x18: {  	s0 =	sld [smem:$0x3F9C];
	_ =	swait.ge [sflag:s4], $0x0  }
0x19: {  	s7 =	sld [smem:$0x3F9D]  }
0x1a: {  	s8 =	sadd.s32 $0xFFFFE003, lr  }
0x1b: {  	s9 =	sadd.s32 $0xFFFFFEF7, lr;
	s5 =	simm.s32 $0xFFFFFFFF;
	p2 =	slt.u32 s8, $0xFFFFF086  }
0x1c: {  	p1 =	slt.u32 s9, $0xF7A;
	s5 =	simm.s32 @!p2 $0x0  }
0x1d: {  	s5 =	simm.s32 @p1 $0x1;
	p0 =	seq.s32 s7, s2  }
0x1e: {  	s7 =	smul.u32 @!p0 $0xF7A, s2;
	p2 =	seq.s32 @!p0 s5, $0x0  }
0x1f: {  	s9 =	smul.u32 $0xF7A, s1;
	s8 =	simm.s32 @!p0 $0x1BF5;
	p2 =	por !p2, p0  }
0x20: {  	[sflag:s8] =	ssyncset.s32 @!p0 $0xFFFFF086;
	s6 =	sadd.s32 @!p0 s3, s7;
	s7 =	simm.s32 @!p0 $0x108  }
0x21: {  	s3 =	sadd.s32 s3, s9;
	s6 =	sadd.s32 @!p0 $0x88, s6;
	s7 =	simm.s32 @p2 $0x1082  }
0x22: {  	[simem:s7], [sflag:s8] =	dma.local @!p0 [hbm:s6], $0xF7A  }
0x23: {  	s9 =	sor.u32 $0xD0000000, s2;
	s6 =	simm.s32 $0x108;
	_ =	swait.ge @!p0 [sflag:s8], $0x0  }
0x24: {  	s3 =	sadd.s32 $0x88, s3;
	s6 =	simm.s32 @!p1 $0x1082;
	[sflag:s4] =	ssyncset.s32 $0xFFFFF086  }
0x25: {  	[simem:s6], [sflag:s4] =	dma.local [hbm:s3], $0xF7A  }
0x26: {  	[smem:$0x3F9D] =	sst s1;
	(tag) =	ssettag s2;
	_ =	strace s9  }
0x27: {  	s1 =	sld [smem:$0x3FAD]  }
0x28: {  	s2 =	sld [smem:$0x3FAE]  }
0x29: {  	s4 =	sld [smem:$0x3FB0]  }
0x2a: {  	p0 =	seq.s32 s5, $0x0;
	s5 =	sld [smem:$0x3FB1]  }
0x2b: {  	s6 =	sld [smem:$0x3FB2]  }
0x2c: {  	s7 =	sld [smem:$0x3FB3]  }
0x2d: {  	s3 =	simm.s32 $0x108;
	s8 =	sld [smem:$0x3FB4]  }
0x2e: {  	s3 =	simm.s32 @!p0 $0x1082;
	s9 =	sld [smem:$0x3FB5]  }
0x2f: {  	lr =	sadd.s32 s0, s3;
	s0 =	sld [smem:$0x3FAC]  }
0x30: {  	s3 =	sld [smem:$0x3FAF]  }
0x31: {  	[smem:$0x3FB8] =	sst s10  }
0x32: {  	s10 =	sld [smem:$0x3FB6];
	_ =	sdelay $0x3  }
0x33: {  	p0 =	seq.s32 s10, $0x1;
	s10 =	sld [smem:$0x3FB8];
	_ =	sdelay $0x3  }
0x34: {  	[smem:$0x3FB8] =	sst s10  }
0x35: {  	s10 =	sld [smem:$0x3FB7];
	_ =	sdelay $0x3  }
0x36: {  	p1 =	seq.s32 s10, $0x1;
	s10 =	sld [smem:$0x3FB8];
	_ =	sdelay $0x3  }
0x37: {  	[smem:$0x3FB8] =	sst s10  }
0x38: {  	s10 =	sld [smem:$0x3FB9]  }
0x39: {  	_ = 	snop;
	(pc) =	sbr.ind lr, $3  }
0x3a: {  	_ = 	snop  }
0x3b: {  	_ = 	snop  }
0x3c: {  	p2 =	seq.s32 s10, $0x1;
	s10 =	sld [smem:$0x3FB8]  }
0x3d: {  	_ =	shalt  }
0x3e: {  	_ =	shalt  }
0x3f: {  	_ =	shalt  }
0x40: {  	_ =	shalt  }
0x41: {  	_ =	shalt  }
0x42: {  	_ =	shalt  }
0x43: {  	_ =	shalt  }
0x44: {  	_ =	shalt  }
0x45: {  	_ =	shalt  }
0x46: {  	_ =	shalt  }
0x47: {  	_ =	shalt  }
0x48: {  	_ =	shalt  }
0x49: {  	_ =	shalt  }
0x4a: {  	_ =	shalt  }
0x4b: {  	_ =	shalt  }
0x4c: {  	_ =	shalt  }
0x4d: {  	_ =	shalt  }
0x4e: {  	_ =	shalt  }
0x4f: {  	_ =	shalt  }
0x50: {  	_ =	shalt  }
0x51: {  	_ =	shalt  }
0x52: {  	_ =	shalt  }
0x53: {  	_ =	shalt  }
0x54: {  	_ =	shalt  }
0x55: {  	_ =	shalt  }
0x56: {  	_ =	shalt  }
0x57: {  	_ =	shalt  }
0x58: {  	_ =	shalt  }
0x59: {  	_ =	shalt  }
0x5a: {  	_ =	shalt  }
0x5b: {  	_ =	shalt  }
0x5c: {  	_ =	shalt  }
0x5d: {  	_ =	shalt  }
0x5e: {  	_ =	shalt  }
0x5f: {  	_ =	shalt  }
0x60: {  	_ =	shalt  }
0x61: {  	_ =	shalt  }
0x62: {  	_ =	shalt  }
0x63: {  	_ =	shalt  }
0x64: {  	_ =	shalt  }
0x65: {  	_ =	shalt  }
0x66: {  	_ =	shalt  }
0x67: {  	_ =	shalt  }
0x68: {  	_ =	shalt  }
0x69: {  	_ =	shalt  }
0x6a: {  	_ =	shalt  }
0x6b: {  	_ =	shalt  }
0x6c: {  	_ =	shalt  }
0x6d: {  	_ =	shalt  }
0x6e: {  	_ =	shalt  }
0x6f: {  	_ =	shalt  }
0x70: {  	_ =	shalt  }
0x71: {  	_ =	shalt  }
0x72: {  	_ =	shalt  }
0x73: {  	_ =	shalt  }
0x74: {  	_ =	shalt  }
0x75: {  	_ =	shalt  }
0x76: {  	_ =	shalt  }
0x77: {  	_ =	shalt  }
0x78: {  	_ =	shalt  }
0x79: {  	_ =	shalt  }
0x7a: {  	_ =	shalt  }
0x7b: {  	_ =	shalt  }
0x7c: {  	_ =	shalt  }
0x7d: {  	_ =	shalt  }
0x7e: {  	_ =	shalt  }
0x7f: {  	_ =	shalt  }
0x80: {  	_ =	shalt  }
0x81: {  	_ =	shalt  }
0x82: {  	_ =	shalt  }
0x83: {  	_ =	shalt  }
0x84: {  	_ =	shalt  }
0x85: {  	_ =	shalt  }
0x86: {  	_ =	shalt  }
0x87: {  	_ =	shalt  }
.Lfunc_end0:
.L_simem_size_0:
called_computation.2_lowered:
.L_overlay_start_0:
0x88: {  	s2 =	sld [smem:$0x3FD9]  }
0x89: {  	s3 =	sld [smem:$0x3FFE];
	_ =	sdelay $0x1  }
0x8a: {  	s1 =	srdreg.scid  }
0x8b: {  	s0 =	sand.u32 $0x1, s1  }
0x8c: {  	s17 =	sshll.u32 s0, $0xA;
	s2 =	sadd.s32 s3, s2  }
0x8d: {  	s2 =	sadd.s32 s2, s17  }
0x8e: {  	[smem:$0x3FC4] =	sst s2  }
0x8f: {  	_ = 	snop  }
0x90: {  	s2 =	sld [smem:$0x3FD0];
	(tm) =	ssettm $0x1  }
0x91: {  	s18 =	sld [smem:$0x3FFB];
	_ =	sdelay $0x3  }
0x92: {  	_ =	strace s18  }
0x93: {  	s3 =	sld [smem:$0x3FFC];
	_ =	sdelay $0x3  }
0x94: {  	_ =	strace s3  }
0x95: {  	s3 =	sld [smem:$0x3FFD];
	_ =	sdelay $0x3  }
0x96: {  	_ =	strace s3  }
0x97: {  	_ =	strace $0x8FFFFFFF  }
0x98: {  	s19 =	sld [smem:$0x3FDB];
	_ =	sdelay $0x1  }
0x99: {  	s4 =	simm.s32 $_scs_section_size  }
0x9a: {  	s5 =	simm.s32 $_size__tile_overlayer_lowered;
	s6 =	simm.s32 $_tile_overlayer_lowered  }
0x9b: {  	s22 =	simm.s32 $0x1BFF;
	s21 =	sshll.u32 s6, $0x1;
	s3 =	sadd.s32 s4, s19  }
0x9c: {  	s7 =	simm.s32 $0x0;
	s20 =	sshll.u32 s5, $0x1;
	s5 =	sadd.s32 s21, s3  }
0x9d: {  	[timem:s7], [sflag:s22] =	dma.local [hbm:s5], s20  }
0x9e: {  	_ =	swait.ge [sflag:s22], s20  }
0x9f: {  	s4 =	ssub.s32 $0x0, s20;
	[sflag:s22] =	ssyncset.done $0x0  }
0xa0: {  	[sflag:s22] =	ssyncadd.s32 s4;
	_ =	sdelay $0x1  }
0xa1: {  	s23 =	simm.s32 $0x1B8B  }
0xa2: {  	_ =	swait.ge [sflag:s23], $0x1  }
0xa3: {  	[sflag:s23] =	ssyncset.done $0x0  }
0xa4: {  	s25 =	simm.s32 $0x1B8E;
	s24 =	sld [smem:$0x3FFE];
	[sflag:s23] =	ssyncadd.s32 $0xFFFFFFFF  }
0xa5: {  	s26 =	simm.s32 $execute0_lowered;
	[smem:$0x3FD2] =	sst s25  }
0xa6: {  	s5 =	sshll.u32 s26, $0x1;
	_ =	strace $0x8000004C;
	[dreg:$0x1] =	wrdreg $0xFFFFFFFF  }
0xa7: {  	s28 =	simm.s32 $_size_execute0_lowered;
	s3 =	sadd.s32 s3, s5;
	[dreg:$0x0] =	wrdreg $0x0  }
0xa8: {  	s5 =	sshll.u32 s28, $0x1;
	[dreg:$0x2] =	wrdreg s3  }
0xa9: {  	[dreg:$0x3] =	wrdreg s5  }
0xaa: {  	[dreg:$0x4] =	wrdreg $0xC0  }
0xab: {  	_ =	task [dreg:s7], $0x5FFFF  }
0xac: {  	[dreg:$0x1] =	wrdreg $0xFFFFFFFF  }
0xad: {  	[dreg:$0x0] =	wrdreg $0x60  }
0xae: {  	[dreg:$0x2] =	wrdreg s24  }
0xaf: {  	[dreg:$0x3] =	wrdreg s2  }
0xb0: {  	[dreg:$0x4] =	wrdreg $0xB7800  }
0xb1: {  	[dreg:$0x5] =	wrdreg $0x9  }
0xb2: {  	_ =	task.clear_ibuf [dreg:s7], $0x6FFFF;
	_ =	strace $0x9000004C  }
0xb3: {  	s29 =	simm.s32 $0x9;
	_ =	strace $0x8000004E  }
0xb4: {  	_ =	swait.ge [sflag:s29], $0x1  }
0xb5: {  	[sflag:s29] =	ssyncadd.s32 $0xFFFFFFFF  }
0xb6: {  	_ =	strace $0x9000004E  }
0xb7: {  	_ =	sfence  }
0xb8: {  	s30 =	sld [smem:$0x0];
	_ =	sdelay $0x2  }
0xb9: {  	s31 =	sshll.u32 s1, $0xD;
	s1 =	sshrl.u32 s1, $0x2  }
0xba: {  	s3 =	sand.u32 $0x4000, s31;
	s1 =	sadd.s32 s1, s30  }
0xbb: {  	s0 =	sor.u32 s3, s0;
	s1 =	sshll.u32 s1, $0x11  }
0xbc: {  	s0 =	sor.u32 s1, s0  }
0xbd: {  	s0 =	sadd.s32 $0x8F2B, s0  }
0xbe: {  	[sflag:s0] =	ssyncadd.remote.s32 $0x1  }
0xbf: {  	_ =	sfence.sel $0xFFFF  }
0xc0: {  	[dreg:$0x0] =	wrdreg $0xFFFFFFFF;
	(pc) =	sbr.abs _section_cstart, $3  }
0xc1: {  	[dreg:$0x1] =	wrdreg $0xFFFFFFFF  }
0xc2: {  	_ =	task.clear_ibuf [dreg:s7], $0x2FFFF;
	_ =	strace $0x9FFFFFFF  }
0xc3: {  	(tm) =	ssettm $0x7FFFFFFF  }
tec
execute0_lowered:
.L_overlay_start_1:
0x0: {  	(tag) =	ssettag $0x1  }
0x1: {  	s6 =	rddreg [dreg:$0x0]  }
0x2: {  	s7 =	rddreg [dreg:$0x1]  }
0x3: {  	s0 =	srdreg.scid;
	s2 =	rddreg [dreg:$0x2]  }
0x4: {  	s15 =	simm.s32 $0x6780;
	s16 =	simm.s32 $0x50;
	s17 =	simm.s32 $0x3  }
0x5: {  	s18 =	simm.s32 $0x4;
	s19 =	simm.s32 $0x0;
	s5 =	sand.u32 $0x1, s0  }
0x6: {  	s0 =	stileid.u32;
	s1 =	sshll.u32 s5, $0x4;
	s10 =	smul.u32 $0x140000, s5  }
0x7: {  	s9 =	sshll.u32 s0, $0x7;
	s11 =	smul.u32 $0x14000, s0;
	s29 =	ssub.s32 $0x2, s5  }
0x8: {  	s13 =	smul.u32 $0x50000, s0;
	s5 =	sadd.s32 $0x1A00, s6;
	s31 =	sshll.u32 s0, $0x6  }
0x9: {  	s8 =	sor.u32 s0, s1;
	s1 =	rddreg [dreg:$0x3];
	s9 =	sand.u32 $0x380, s9  }
0xa: {  	s12 =	sshrl.u32 s29, $0x1;
	s3 =	sshrl.u32 s8, $0x3;
	s10 =	sadd.s32 s11, s10  }
0xb: {  	s11 =	ssub.s32 s29, s12;
	s8 =	sshll.u32 s8, $0xB;
	s30 =	sshrl.u32 s13, $0x2  }
0xc: {  	s12 =	simm.s32 $0x5;
	s13 =	sor.u32 $0x1C05, s31;
	s4 =	smul.u32 $0x13C00, s3  }
0xd: {  	s3 =	simm.s32 $0x0;
	s10 =	sshrl.u32 s10, $0x3;
	s7 =	sadd.s32 s7, s8  }
.Ltmp0:
0xe: {  	s14 =	sadd.s32 s30, s2;
	[smem:$0x7FF] =	sst s3;
	(pc) =	sbr.rel .LBB2_1-.Ltmp0, $4  }
0xf: {  	s10 =	sadd.s32 s10, s6;
	s14 =	sshrl.u32 s14, $0x3;
	s9 =	sor.u32 s9, s4  }
0x10: {  	_ =	strace $0x8000004D;
	s4 =	sadd.s32 $0x4200, s6;
	s9 =	sshrl.u32 s9, $0x3  }
0x11: {  	s8 =	sadd.s32 $0x5E600, s10;
	s10 =	simm.s32 $0x80;
	s9 =	sadd.s32 s9, s6  }
0x12: {  	s6 =	sadd.s32 $0x54800, s9;
	s9 =	smax.u32 s11, $0x1;
	s11 =	simm.s32 $0x400  }
.LBB2_7:
0x13: {  	_ =	swait.ge [sflag:s17], $0x2800  }
0x14: {  	[sflag:s17] =	ssyncset.done $0x0  }
0x15: {  	[sflag:s17] =	ssyncadd.s32 $0xFFFFD800  }
0x16: {  	_ =	swait.ge [sflag:s18], $0x2800  }
0x17: {  	s19 =	sadd.s32 $0x1, s19;
	[sflag:s18] =	ssyncset.done $0x0  }
0x18: {  	p0 =	sne.s32 s19, s9;
	[sflag:s18] =	ssyncadd.s32 $0xFFFFD800  }
.Ltmp1:
0x19: {  	[bflag:$0x0] =	sbarrier.arrive $0xFFFF;
	(pc) =	sbr.rel @!p0 .LBB2_8-.Ltmp1, $4  }
0x1a: {  	[hbm:s8], [sflag:s13] =	dma.local [spmem:s14], $0x2800  }
0x1b: {  	_ =	swait.ge [sflag:s12], $0x2800  }
0x1c: {  	[sflag:s12] =	ssyncset.done $0x0  }
0x1d: {  	[sflag:s12] =	ssyncadd.s32 $0xFFFFD800  }
.LBB2_1:
0x1e: {  	[tilespmem:s3], [sflag:$0x5] =	stream.strided.gather [hbm4b:s6+s10], $0x2780, s11, s10, $0x38;
	[tilespmem:$0x1F780] =	vst v63  }
0x1f: {  	_ =	swait.ge [sflag:s12], $0x2780  }
0x20: {  	[sflag:s12] =	ssyncset.done $0x0  }
0x21: {  	s20 =	simm.s32 $0x2780;
	[sflag:s12] =	ssyncadd.s32 $0xFFFFD880  }
0x22: {  	[tilespmem:s20], [sflag:$0x5] =	stream.linear.gather [hbm4b:s7+s3], $0x3E80, $0x38;
	[tilespmem:$0x1F780] =	vst v63  }
0x23: {  	_ =	swait.ge [sflag:s12], $0x3E80  }
0x24: {  	[sflag:s12] =	ssyncset.done $0x0  }
0x25: {  	[sflag:s12] =	ssyncadd.s32 $0xFFFFC180  }
0x26: {  	[spmem:s14], [sflag:s13] =	dma.local [hbm:s5], $0x2800  }
.Ltmp2:
0x27: {  	_ =	swait.ge [sflag:s12], $0x2800;
	(pc) =	sbr.rel .LBB2_2-.Ltmp2, $4  }
0x28: {  	[sflag:s12] =	ssyncset.done $0x0  }
0x29: {  	[sflag:s12] =	ssyncadd.s32 $0xFFFFD800  }
0x2a: {  	s21 =	simm.s32 $0x50;
	s22 =	simm.s32 $0x0;
	[bflag:$0x0] =	sbarrier.arrive $0xFFFF  }
0x2b: {  	[tilespmem:s15], [sflag:$0x1] =	stream.indirect.gather [hbm4b:s4+s16], $0x80, s3, s16, $0xb8;
	[tilespmem:$0x1F780] =	vst v63  }
.LBB2_5:
0x2c: {  	s25 =	smul.u32 $0xA000, s24;
	_ =	sdelay $0x1  }
0x2d: {  	s25 =	sshrl.u32 s25, $0x2  }
0x2e: {  	s31 =	sadd.s32 $0x1, s24;
	s25 =	sadd.s32 $0x6780, s25  }
0x2f: {  	[tilespmem:s25], [sflag:s31] =	stream.indirect.gather [hbm4b:s4+s16], $0x80, s21, s16, $0xb8;
	[tilespmem:$0x1F780] =	vst v63  }
.LBB2_6:
0x30: {  	s22 =	sadd.s32 $0x1, s22  }
0x31: {  	s24 =	smul.u32 $0xA000, s23;
	s25 =	sadd.s32 $0x1, s23;
	p0 =	sne.s32 s22, $0x7D  }
.Ltmp3:
0x32: {  	_ =	swait.ge [sflag:s25], $0x2800;
	(pc) =	sbr.rel @!p0 .LBB2_7-.Ltmp3, $4  }
0x33: {  	s24 =	sshrl.u32 s24, $0x2;
	[sflag:s25] =	ssyncset.done $0x0  }
0x34: {  	s31 =	sadd.s32 $0x3, s23;
	s24 =	sadd.s32 $0x6780, s24;
	[sflag:s25] =	ssyncadd.s32 $0xFFFFD800  }
0x35: {  	[spmem:s2] =	stream.indirect.scatter.add.f32 [tilespmem:s24], [sflag:s31], $0x80, s20, s16, $0xb8;
	[tilespmem:$0x1F780] =	vst v63  }
0x36: {  	s21 =	sadd.s32 $0x50, s21;
	s20 =	sadd.s32 $0x80, s20  }
.LBB2_2:
0x37: {  	p0 =	seq.s32 s22, $0x0  }
.Ltmp4:
0x38: {  	_ = 	snop;
	(pc) =	sbr.rel @p0 .LBB2_5-.Ltmp4, $3  }
0x39: {  	_ =	sdelay $0x1  }
0x3a: {  	s23 =	sand.u32 $0x1, s22  }
0x3b: {  	s24 =	sxor.u32 $0x1, s23  }
0x3c: {  	p0 =	seq.s32 s22, $0x7C  }
.Ltmp5:
0x3d: {  	_ = 	snop;
	(pc) =	sbr.rel @p0 .LBB2_6-.Ltmp5, $1  }
0x3e: {  	_ =	sdelay $0x3  }
.Ltmp6:
0x3f: {  	(pc) =	sbr.rel .LBB2_5-.Ltmp6, $4  }
0x40: {  	s25 =	sadd.s32 $0x3, s24  }
0x41: {  	_ =	swait.ge [sflag:s25], $0x2800  }
0x42: {  	[sflag:s25] =	ssyncset.done $0x0  }
0x43: {  	[sflag:s25] =	ssyncadd.s32 $0xFFFFD800  }
.LBB2_8:
0x44: {  	_ =	sfence.sel $0x180000  }
0x45: {  	[bflag:$0x0] =	sbarrier.arrive $0xFFFF  }
0x46: {  	p0 =	sne.s32 s0, $0x0;
	_ =	strace $0x9000004D  }
0x47: {  	s0 =	sadd.s32 @!p0 $0x100000, s1;
	[bflag:$0x2] =	sbarrier.arrive $0xFFFF  }
0x48: {  	[sflag:s0] =	ssyncadd.tile.s32 @!p0 $0x1;
	_ =	shalt  }
.Lfunc_end2:
_tile_overlayer_lowered:
.L_overlay_start_2:
0x49: {  	(tag) =	ssettag $0x2  }
0x4a: {  	s0 =	rddreg [dreg:$0x0];
	s2 =	stileid.u32  }
0x4b: {  	s1 =	rddreg [dreg:$0x1];
	p0 =	sne.s32 s2, $0x0  }
0x4c: {  	s3 =	rddreg [dreg:$0x2];
	[bflag:$0x3] =	sbarrier.arrive $0xFFFF;
	s2 =	simm.s32 @!p0 $0x1C05  }
0x4d: {  	[timem:s3], [sflag:s2] =	dma.local @!p0 [hbm:s0], s1  }
0x4e: {  	s0 =	simm.s32 @!p0 $0x5  }
0x4f: {  	_ =	swait.ge @!p0 [sflag:s0], s1  }
0x50: {  	s1 =	ssub.s32 @!p0 $0x0, s1;
	[sflag:s0] =	ssyncset.done @!p0 $0x0  }
0x51: {  	[sflag:s0] =	ssyncadd.s32 @!p0 s1  }
0x52: {  	[bflag:$0x3] =	sbarrier.arrive $0xFFFF  }
0x53: {  	_ =	shalt  }

// kernel: kernel.8.cloned.1.call-start
scs
__scs_entry_jumppad:
0x0: {  	(pc) =	sbr.rel $0x88, $3  }
0x1: {  	(tag) =	ssettag $0x0;
	lr =	simm.s32 $0x1  }
0x2: {  	[smem:$0x3F9D] =	sst lr;
	_ =	strace $0xD0000000  }
0x3: {  	_ = 	snop  }
0x4: {  	_ = 	snop  }
0x5: {  	_ = 	snop  }
0x6: {  	_ = 	snop  }
0x7: {  	_ = 	snop  }
__scs_overlays_trampoline_lowered:
0x8: {  	[smem:$0x3FAC] =	sst s0  }
0x9: {  	[smem:$0x3FAD] =	sst s1  }
0xa: {  	[smem:$0x3FAE] =	sst s2  }
0xb: {  	[smem:$0x3FAF] =	sst s3  }
0xc: {  	[smem:$0x3FB0] =	sst s4  }
0xd: {  	[smem:$0x3FB1] =	sst s5  }
0xe: {  	[smem:$0x3FB2] =	sst s6  }
0xf: {  	[smem:$0x3FB3] =	sst s7  }
0x10: {  	[smem:$0x3FB4] =	sst s8  }
0x11: {  	[smem:$0x3FB5] =	sst s9;
	s0 =	simm.s32 @!p0 $0x0  }
0x12: {  	s1 =	sld [smem:$0x3F9B];
	s0 =	simm.s32 @p0 $0x1  }
0x13: {  	[smem:$0x3FB6] =	sst s0;
	s0 =	simm.s32 @!p1 $0x0  }
0x14: {  	s2 =	sld [smem:$0x3F9A];
	s0 =	simm.s32 @p1 $0x1  }
0x15: {  	[smem:$0x3FB7] =	sst s0;
	s0 =	simm.s32 @!p2 $0x0  }
0x16: {  	s3 =	sld [smem:$0x3FDB];
	s0 =	simm.s32 @p2 $0x1  }
0x17: {  	s4 =	simm.s32 $0x1BF5;
	[smem:$0x3FB9] =	sst s0  }
0x18: {  	s0 =	sld [smem:$0x3F9C];
	_ =	swait.ge [sflag:s4], $0x0  }
0x19: {  	s7 =	sld [smem:$0x3F9D]  }
0x1a: {  	s8 =	sadd.s32 $0xFFFFE003, lr  }
0x1b: {  	s9 =	sadd.s32 $0xFFFFFEF7, lr;
	s5 =	simm.s32 $0xFFFFFFFF;
	p2 =	slt.u32 s8, $0xFFFFF086  }
0x1c: {  	p1 =	slt.u32 s9, $0xF7A;
	s5 =	simm.s32 @!p2 $0x0  }
0x1d: {  	s5 =	simm.s32 @p1 $0x1;
	p0 =	seq.s32 s7, s2  }
0x1e: {  	s7 =	smul.u32 @!p0 $0xF7A, s2;
	p2 =	seq.s32 @!p0 s5, $0x0  }
0x1f: {  	s9 =	smul.u32 $0xF7A, s1;
	s8 =	simm.s32 @!p0 $0x1BF5;
	p2 =	por !p2, p0  }
0x20: {  	[sflag:s8] =	ssyncset.s32 @!p0 $0xFFFFF086;
	s6 =	sadd.s32 @!p0 s3, s7;
	s7 =	simm.s32 @!p0 $0x108  }
0x21: {  	s3 =	sadd.s32 s3, s9;
	s6 =	sadd.s32 @!p0 $0x88, s6;
	s7 =	simm.s32 @p2 $0x1082  }
0x22: {  	[simem:s7], [sflag:s8] =	dma.local @!p0 [hbm:s6], $0xF7A  }
0x23: {  	s9 =	sor.u32 $0xD0000000, s2;
	s6 =	simm.s32 $0x108;
	_ =	swait.ge @!p0 [sflag:s8], $0x0  }
0x24: {  	s3 =	sadd.s32 $0x88, s3;
	s6 =	simm.s32 @!p1 $0x1082;
	[sflag:s4] =	ssyncset.s32 $0xFFFFF086  }
0x25: {  	[simem:s6], [sflag:s4] =	dma.local [hbm:s3], $0xF7A  }
0x26: {  	[smem:$0x3F9D] =	sst s1;
	(tag) =	ssettag s2;
	_ =	strace s9  }
0x27: {  	s1 =	sld [smem:$0x3FAD]  }
0x28: {  	s2 =	sld [smem:$0x3FAE]  }
0x29: {  	s4 =	sld [smem:$0x3FB0]  }
0x2a: {  	p0 =	seq.s32 s5, $0x0;
	s5 =	sld [smem:$0x3FB1]  }
0x2b: {  	s6 =	sld [smem:$0x3FB2]  }
0x2c: {  	s7 =	sld [smem:$0x3FB3]  }
0x2d: {  	s3 =	simm.s32 $0x108;
	s8 =	sld [smem:$0x3FB4]  }
0x2e: {  	s3 =	simm.s32 @!p0 $0x1082;
	s9 =	sld [smem:$0x3FB5]  }
0x2f: {  	lr =	sadd.s32 s0, s3;
	s0 =	sld [smem:$0x3FAC]  }
0x30: {  	s3 =	sld [smem:$0x3FAF]  }
0x31: {  	[smem:$0x3FB8] =	sst s10  }
0x32: {  	s10 =	sld [smem:$0x3FB6];
	_ =	sdelay $0x3  }
0x33: {  	p0 =	seq.s32 s10, $0x1;
	s10 =	sld [smem:$0x3FB8];
	_ =	sdelay $0x3  }
0x34: {  	[smem:$0x3FB8] =	sst s10  }
0x35: {  	s10 =	sld [smem:$0x3FB7];
	_ =	sdelay $0x3  }
0x36: {  	p1 =	seq.s32 s10, $0x1;
	s10 =	sld [smem:$0x3FB8];
	_ =	sdelay $0x3  }
0x37: {  	[smem:$0x3FB8] =	sst s10  }
0x38: {  	s10 =	sld [smem:$0x3FB9]  }
0x39: {  	_ = 	snop;
	(pc) =	sbr.ind lr, $3  }
0x3a: {  	_ = 	snop  }
0x3b: {  	_ = 	snop  }
0x3c: {  	p2 =	seq.s32 s10, $0x1;
	s10 =	sld [smem:$0x3FB8]  }
0x3d: {  	_ =	shalt  }
0x3e: {  	_ =	shalt  }
0x3f: {  	_ =	shalt  }
0x40: {  	_ =	shalt  }
0x41: {  	_ =	shalt  }
0x42: {  	_ =	shalt  }
0x43: {  	_ =	shalt  }
0x44: {  	_ =	shalt  }
0x45: {  	_ =	shalt  }
0x46: {  	_ =	shalt  }
0x47: {  	_ =	shalt  }
0x48: {  	_ =	shalt  }
0x49: {  	_ =	shalt  }
0x4a: {  	_ =	shalt  }
0x4b: {  	_ =	shalt  }
0x4c: {  	_ =	shalt  }
0x4d: {  	_ =	shalt  }
0x4e: {  	_ =	shalt  }
0x4f: {  	_ =	shalt  }
0x50: {  	_ =	shalt  }
0x51: {  	_ =	shalt  }
0x52: {  	_ =	shalt  }
0x53: {  	_ =	shalt  }
0x54: {  	_ =	shalt  }
0x55: {  	_ =	shalt  }
0x56: {  	_ =	shalt  }
0x57: {  	_ =	shalt  }
0x58: {  	_ =	shalt  }
0x59: {  	_ =	shalt  }
0x5a: {  	_ =	shalt  }
0x5b: {  	_ =	shalt  }
0x5c: {  	_ =	shalt  }
0x5d: {  	_ =	shalt  }
0x5e: {  	_ =	shalt  }
0x5f: {  	_ =	shalt  }
0x60: {  	_ =	shalt  }
0x61: {  	_ =	shalt  }
0x62: {  	_ =	shalt  }
0x63: {  	_ =	shalt  }
0x64: {  	_ =	shalt  }
0x65: {  	_ =	shalt  }
0x66: {  	_ =	shalt  }
0x67: {  	_ =	shalt  }
0x68: {  	_ =	shalt  }
0x69: {  	_ =	shalt  }
0x6a: {  	_ =	shalt  }
0x6b: {  	_ =	shalt  }
0x6c: {  	_ =	shalt  }
0x6d: {  	_ =	shalt  }
0x6e: {  	_ =	shalt  }
0x6f: {  	_ =	shalt  }
0x70: {  	_ =	shalt  }
0x71: {  	_ =	shalt  }
0x72: {  	_ =	shalt  }
0x73: {  	_ =	shalt  }
0x74: {  	_ =	shalt  }
0x75: {  	_ =	shalt  }
0x76: {  	_ =	shalt  }
0x77: {  	_ =	shalt  }
0x78: {  	_ =	shalt  }
0x79: {  	_ =	shalt  }
0x7a: {  	_ =	shalt  }
0x7b: {  	_ =	shalt  }
0x7c: {  	_ =	shalt  }
0x7d: {  	_ =	shalt  }
0x7e: {  	_ =	shalt  }
0x7f: {  	_ =	shalt  }
0x80: {  	_ =	shalt  }
0x81: {  	_ =	shalt  }
0x82: {  	_ =	shalt  }
0x83: {  	_ =	shalt  }
0x84: {  	_ =	shalt  }
0x85: {  	_ =	shalt  }
0x86: {  	_ =	shalt  }
0x87: {  	_ =	shalt  }
.Lfunc_end0:
.L_simem_size_0:
called_computation_lowered:
.L_overlay_start_0:
0x88: {  	s2 =	sld [smem:$0x3FD9]  }
0x89: {  	s3 =	sld [smem:$0x3FFE];
	_ =	sdelay $0x1  }
0x8a: {  	s1 =	srdreg.scid  }
0x8b: {  	s0 =	sand.u32 $0x1, s1  }
0x8c: {  	s17 =	sshll.u32 s0, $0xA;
	s2 =	sadd.s32 s3, s2  }
0x8d: {  	s2 =	sadd.s32 s2, s17  }
0x8e: {  	[smem:$0x3FC4] =	sst s2  }
0x8f: {  	_ = 	snop  }
0x90: {  	s2 =	sld [smem:$0x3FD0];
	(tm) =	ssettm $0x1  }
0x91: {  	s18 =	sld [smem:$0x3FFB];
	_ =	sdelay $0x3  }
0x92: {  	_ =	strace s18  }
0x93: {  	s3 =	sld [smem:$0x3FFC];
	_ =	sdelay $0x3  }
0x94: {  	_ =	strace s3  }
0x95: {  	s3 =	sld [smem:$0x3FFD];
	_ =	sdelay $0x3  }
0x96: {  	_ =	strace s3  }
0x97: {  	_ =	strace $0x8FFFFFFF  }
0x98: {  	s19 =	sld [smem:$0x3FDB];
	_ =	sdelay $0x1  }
0x99: {  	s4 =	simm.s32 $_scs_section_size  }
0x9a: {  	s5 =	simm.s32 $_size__tile_overlayer_lowered;
	s6 =	simm.s32 $_tile_overlayer_lowered  }
0x9b: {  	s22 =	simm.s32 $0x1BFF;
	s21 =	sshll.u32 s6, $0x1;
	s3 =	sadd.s32 s4, s19  }
0x9c: {  	s7 =	simm.s32 $0x0;
	s20 =	sshll.u32 s5, $0x1;
	s5 =	sadd.s32 s21, s3  }
0x9d: {  	[timem:s7], [sflag:s22] =	dma.local [hbm:s5], s20  }
0x9e: {  	_ =	swait.ge [sflag:s22], s20  }
0x9f: {  	s4 =	ssub.s32 $0x0, s20;
	[sflag:s22] =	ssyncset.done $0x0  }
0xa0: {  	[sflag:s22] =	ssyncadd.s32 s4;
	_ =	sdelay $0x1  }
0xa1: {  	s23 =	simm.s32 $0x1B8B  }
0xa2: {  	_ =	swait.ge [sflag:s23], $0x1  }
0xa3: {  	[sflag:s23] =	ssyncset.done $0x0  }
0xa4: {  	s25 =	simm.s32 $0x1B8E;
	s24 =	sld [smem:$0x3FFE];
	[sflag:s23] =	ssyncadd.s32 $0xFFFFFFFF  }
0xa5: {  	s26 =	simm.s32 $execute0_lowered;
	[smem:$0x3FD2] =	sst s25  }
0xa6: {  	s5 =	sshll.u32 s26, $0x1;
	_ =	strace $0x80000046;
	[dreg:$0x1] =	wrdreg $0xFFFFFFFF  }
0xa7: {  	s28 =	simm.s32 $_size_execute0_lowered;
	s3 =	sadd.s32 s3, s5;
	[dreg:$0x0] =	wrdreg $0x0  }
0xa8: {  	s5 =	sshll.u32 s28, $0x1;
	[dreg:$0x2] =	wrdreg s3  }
0xa9: {  	[dreg:$0x3] =	wrdreg s5  }
0xaa: {  	[dreg:$0x4] =	wrdreg $0xC0  }
0xab: {  	_ =	task [dreg:s7], $0x5FFFF  }
0xac: {  	[dreg:$0x1] =	wrdreg $0xFFFFFFFF  }
0xad: {  	[dreg:$0x0] =	wrdreg $0x60  }
0xae: {  	[dreg:$0x2] =	wrdreg s2  }
0xaf: {  	[dreg:$0x3] =	wrdreg s24  }
0xb0: {  	[dreg:$0x4] =	wrdreg $0x68000  }
0xb1: {  	[dreg:$0x5] =	wrdreg $0x9  }
0xb2: {  	_ =	task.clear_ibuf [dreg:s7], $0x6FFFF;
	_ =	strace $0x90000046  }
0xb3: {  	s29 =	simm.s32 $0x9;
	_ =	strace $0x80000048  }
0xb4: {  	_ =	swait.ge [sflag:s29], $0x1  }
0xb5: {  	[sflag:s29] =	ssyncadd.s32 $0xFFFFFFFF  }
0xb6: {  	_ =	strace $0x90000048  }
0xb7: {  	_ =	sfence  }
0xb8: {  	s30 =	sld [smem:$0x0];
	_ =	sdelay $0x2  }
0xb9: {  	s31 =	sshll.u32 s1, $0xD;
	s1 =	sshrl.u32 s1, $0x2  }
0xba: {  	s3 =	sand.u32 $0x4000, s31;
	s1 =	sadd.s32 s1, s30  }
0xbb: {  	s0 =	sor.u32 s3, s0;
	s1 =	sshll.u32 s1, $0x11  }
0xbc: {  	s0 =	sor.u32 s1, s0  }
0xbd: {  	s0 =	sadd.s32 $0x8F2B, s0  }
0xbe: {  	[sflag:s0] =	ssyncadd.remote.s32 $0x1  }
0xbf: {  	_ =	sfence.sel $0xFFFF  }
0xc0: {  	[dreg:$0x0] =	wrdreg $0xFFFFFFFF;
	(pc) =	sbr.abs _section_cstart, $3  }
0xc1: {  	[dreg:$0x1] =	wrdreg $0xFFFFFFFF  }
0xc2: {  	_ =	task.clear_ibuf [dreg:s7], $0x2FFFF;
	_ =	strace $0x9FFFFFFF  }
0xc3: {  	(tm) =	ssettm $0x7FFFFFFF  }
tec
execute0_lowered:
.L_overlay_start_1:
0x0: {  	(tag) =	ssettag $0x1  }
0x1: {  	s6 =	rddreg [dreg:$0x0]  }
0x2: {  	s7 =	rddreg [dreg:$0x1]  }
0x3: {  	s1 =	rddreg [dreg:$0x2]  }
0x4: {  	s2 =	srdreg.scid;
	s0 =	rddreg [dreg:$0x3];
	s3 =	simm.s32 $0x0  }
0x5: {  	s13 =	simm.s32 $0x50;
	s14 =	simm.s32 $0x80;
	s15 =	simm.s32 $0x1  }
0x6: {  	s16 =	simm.s32 $0x2;
	s8 =	sand.u32 $0x1, s2;
	s2 =	stileid.u32  }
0x7: {  	s17 =	simm.s32 $0x0;
	[smem:$0x7FF] =	sst s3;
	s9 =	smul.u32 $0x140000, s8  }
0x8: {  	s4 =	sadd.s32 $0x4200, s7;
	s5 =	sadd.s32 $0x1A00, s7;
	s10 =	smul.u32 $0x14000, s2  }
0x9: {  	_ =	strace $0x80000047;
	s28 =	ssub.s32 $0x2, s8;
	s11 =	smul.u32 $0x50000, s2  }
0xa: {  	s12 =	sshll.u32 s2, $0xB;
	s8 =	sshll.u32 s8, $0xF;
	s31 =	sshll.u32 s2, $0x6  }
0xb: {  	s29 =	sshrl.u32 s28, $0x1;
	s6 =	sadd.s32 s6, s12;
	s9 =	sadd.s32 s10, s9  }
0xc: {  	s11 =	sshrl.u32 s11, $0x2;
	s6 =	sadd.s32 s8, s6;
	s10 =	simm.s32 $0x3  }
0xd: {  	s9 =	sshrl.u32 s9, $0x3;
	s30 =	sadd.s32 s11, s1;
	s11 =	sor.u32 $0x1C03, s31  }
0xe: {  	s7 =	sadd.s32 s9, s7;
	s9 =	ssub.s32 s28, s29;
	s12 =	sshrl.u32 s30, $0x3  }
0xf: {  	s7 =	sadd.s32 $0x4800, s7;
	s8 =	smax.u32 s9, $0x1;
	s9 =	simm.s32 $0x4000  }
.LBB2_1:
0x10: {  	[tilespmem:s9], [sflag:$0x3] =	stream.linear.gather [hbm4b:s4+s3], $0x2800, $0x38;
	[tilespmem:$0x1A800] =	vst v63  }
0x11: {  	_ =	swait.ge [sflag:s10], $0x2800  }
0x12: {  	[sflag:s10] =	ssyncset.done $0x0  }
0x13: {  	[sflag:s10] =	ssyncadd.s32 $0xFFFFD800  }
0x14: {  	[tilespmem:s3], [sflag:$0x3] =	stream.linear.gather [hbm4b:s6+s3], $0x3E80, $0x38;
	[tilespmem:$0x1A800] =	vst v63  }
0x15: {  	_ =	swait.ge [sflag:s10], $0x3E80  }
0x16: {  	[sflag:s10] =	ssyncset.done $0x0  }
0x17: {  	[sflag:s10] =	ssyncadd.s32 $0xFFFFC180  }
0x18: {  	[spmem:s12], [sflag:s11] =	dma.local [hbm:s5], $0x2800  }
0x19: {  	_ =	swait.ge [sflag:s10], $0x2800  }
0x1a: {  	[sflag:s10] =	ssyncset.done $0x0  }
0x1b: {  	[sflag:s10] =	ssyncadd.s32 $0xFFFFD800  }
0x1c: {  	s18 =	sand.u32 $0x1, s16;
	[bflag:$0x0] =	sbarrier.arrive $0xFFFF  }
0x1d: {  	[spmem:s1] =	stream.indirect.scatter.add.f32 [tilespmem:s9], [sflag:$0x1], $0x80, s3, s13, $0xb8;
	[tilespmem:$0x1A800] =	vst v63  }
0x1e: {  	s19 =	sadd.s32 $0x1, s18  }
0x1f: {  	[spmem:s1] =	stream.indirect.scatter.add.f32 [tilespmem:s9], [sflag:$0x2], $0x80, s14, s13, $0xb8;
	[tilespmem:$0x1A800] =	vst v63  }
0x20: {  	_ =	swait.ge [sflag:s19], $0x2800  }
0x21: {  	s20 =	simm.s32 $0x3;
	[sflag:s19] =	ssyncset.done $0x0  }
0x22: {  	s18 =	simm.s32 $0x100;
	s20 =	sand.u32 $0x1, s20;
	[sflag:s19] =	ssyncadd.s32 $0xFFFFD800  }
0x23: {  	[spmem:s1] =	stream.indirect.scatter.add.f32 [tilespmem:s9], [sflag:s19], $0x80, s18, s13, $0xb8;
	[tilespmem:$0x1A800] =	vst v63  }
0x24: {  	s19 =	sadd.s32 $0x1, s20  }
0x25: {  	s20 =	simm.s32 $0x4;
	_ =	swait.ge [sflag:s19], $0x2800  }
.LBB2_2:
0x26: {  	s21 =	sand.u32 $0x1, s20  }
0x27: {  	[sflag:s19] =	ssyncset.done $0x0;
	s18 =	sadd.s32 $0x80, s18;
	p0 =	sne.s32 s20, $0x7C  }
.Ltmp0:
0x28: {  	s21 =	sadd.s32 $0x1, s21;
	[sflag:s19] =	ssyncadd.s32 $0xFFFFD800;
	(pc) =	sbr.rel @p0 .LBB2_2-.Ltmp0, $3  }
0x29: {  	[spmem:s1] =	stream.indirect.scatter.add.f32 [tilespmem:s9], [sflag:s19], $0x80, s18, s13, $0xb8;
	[tilespmem:$0x1A800] =	vst v63  }
0x2a: {  	s19 =	smov.u32 s21;
	_ =	swait.ge [sflag:s21], $0x2800;
	_ =	sdelay $0x1  }
0x2b: {  	s20 =	sadd.s32 $0x1, s20  }
0x2c: {  	[sflag:s19] =	ssyncset.done $0x0  }
0x2d: {  	s18 =	sadd.s32 $0x80, s18;
	[sflag:s19] =	ssyncadd.s32 $0xFFFFD800  }
0x2e: {  	[spmem:s1] =	stream.indirect.scatter.add.f32 [tilespmem:s9], [sflag:s19], $0x80, s18, s13, $0xb8;
	[tilespmem:$0x1A800] =	vst v63  }
0x2f: {  	_ =	swait.ge [sflag:s15], $0x2800  }
0x30: {  	[sflag:s15] =	ssyncset.done $0x0  }
0x31: {  	[sflag:s15] =	ssyncadd.s32 $0xFFFFD800  }
0x32: {  	_ =	swait.ge [sflag:s16], $0x2800  }
0x33: {  	s17 =	sadd.s32 $0x1, s17;
	[sflag:s16] =	ssyncset.done $0x0  }
0x34: {  	p0 =	sne.s32 s17, s8;
	[sflag:s16] =	ssyncadd.s32 $0xFFFFD800  }
.Ltmp1:
0x35: {  	[bflag:$0x0] =	sbarrier.arrive $0xFFFF;
	(pc) =	sbr.rel @p0 .LBB2_1-.Ltmp1, $4  }
0x36: {  	[hbm:s7], [sflag:s11] =	dma.local [spmem:s12], $0x2800  }
0x37: {  	_ =	swait.ge [sflag:s10], $0x2800  }
0x38: {  	[sflag:s10] =	ssyncset.done $0x0  }
0x39: {  	[sflag:s10] =	ssyncadd.s32 $0xFFFFD800  }
0x3a: {  	_ =	sfence.sel $0x180000  }
0x3b: {  	[bflag:$0x0] =	sbarrier.arrive $0xFFFF  }
0x3c: {  	p0 =	sne.s32 s2, $0x0;
	_ =	strace $0x90000047  }
0x3d: {  	s0 =	sadd.s32 @!p0 $0x100000, s0;
	[bflag:$0x2] =	sbarrier.arrive $0xFFFF  }
0x3e: {  	[sflag:s0] =	ssyncadd.tile.s32 @!p0 $0x1;
	_ =	shalt  }
.Lfunc_end2:
_tile_overlayer_lowered:
.L_overlay_start_2:
0x3f: {  	(tag) =	ssettag $0x2  }
0x40: {  	s0 =	rddreg [dreg:$0x0];
	s2 =	stileid.u32  }
0x41: {  	s1 =	rddreg [dreg:$0x1];
	p0 =	sne.s32 s2, $0x0  }
0x42: {  	s3 =	rddreg [dreg:$0x2];
	[bflag:$0x3] =	sbarrier.arrive $0xFFFF;
	s2 =	simm.s32 @!p0 $0x1C03  }
0x43: {  	[timem:s3], [sflag:s2] =	dma.local @!p0 [hbm:s0], s1  }
0x44: {  	s0 =	simm.s32 @!p0 $0x3  }
0x45: {  	_ =	swait.ge @!p0 [sflag:s0], s1  }
0x46: {  	s1 =	ssub.s32 @!p0 $0x0, s1;
	[sflag:s0] =	ssyncset.done @!p0 $0x0  }
0x47: {  	[sflag:s0] =	ssyncadd.s32 @!p0 s1  }
0x48: {  	[bflag:$0x3] =	sbarrier.arrive $0xFFFF  }
0x49: {  	_ =	shalt  }

</sc_bundles>
